<compile_context>
chip_gen: v7x
topology: tpu7x:2x2x1
jax: 0.10.2.dev20260603
libtpu: 0.0.44.dev20260713+nightly
codegen_flags: <defaults>
</compile_context>

<pallas_src>
import functools

import jax
import jax.numpy as jnp
from jax import lax
from jax.experimental import pallas as pl
from jax.experimental.pallas import tpu as pltpu
from jax.experimental.pallas import tpu_sc as plsc

N_NODES = 10000
N_EDGES = 160000
F = 256
HF = 128
WID = 144
EP = 163840
CHUNK = 128
NCH = EP // (16 * CHUNK)
NB = 4
DUMMY = 10100
ROWS_SH = 10240
ZROWS = 640


def _sc_aggregate(xcat, srcoff, dstp, zblk):
    mesh = plsc.VectorSubcoreMesh(core_axis_name="c", subcore_axis_name="s")

    @functools.partial(
        pl.kernel,
        mesh=mesh,
        out_type=jax.ShapeDtypeStruct((2 * N_NODES, WID), jnp.bfloat16),
        compiler_params=pltpu.CompilerParams(use_tc_tiling_on_sc=False),
        scratch_types=[
            pltpu.VMEM((NCH, CHUNK), jnp.int32),
            pltpu.VMEM((NCH, CHUNK), jnp.int32),
            pltpu.VMEM((CHUNK, WID), jnp.bfloat16),
            pltpu.VMEM((CHUNK, WID), jnp.bfloat16),
            pltpu.VMEM((CHUNK, WID), jnp.bfloat16),
            pltpu.VMEM((CHUNK, WID), jnp.bfloat16),
            pltpu.VMEM_SHARED((ROWS_SH, WID), jnp.bfloat16),
            pltpu.SemaphoreType.DMA,
            pltpu.SemaphoreType.DMA,
            pltpu.SemaphoreType.DMA,
            pltpu.SemaphoreType.DMA,
            pltpu.SemaphoreType.DMA,
            pltpu.SemaphoreType.DMA,
            pltpu.SemaphoreType.DMA,
            pltpu.SemaphoreType.DMA,
        ],
    )
    def body(xcat_h, srcoff_h, dstp_h, z_h, out_h,
             srcb, dstb, rb0, rb1, rb2, rb3, agg,
             sg0, sg1, sg2, sg3, ss0, ss1, ss2, ss3):
        c = lax.axis_index("c")
        s = lax.axis_index("s")
        rbufs = (rb0, rb1, rb2, rb3)
        gsems = (sg0, sg1, sg2, sg3)
        ssems = (ss0, ss1, ss2, ss3)

        pltpu.sync_copy(z_h, agg.at[pl.ds(s * ZROWS, ZROWS)])
        pltpu.sync_copy(srcoff_h.at[pl.ds((c * 16 + s) * NCH, NCH)], srcb)
        pltpu.sync_copy(dstp_h.at[pl.ds(s * NCH, NCH)], dstb)
        plsc.subcore_barrier()

        def gfire(ch, b):
            pltpu.async_copy(xcat_h.at[srcb.at[ch]], rbufs[b], gsems[b])

        def gwait(ch, b):
            pltpu.make_async_copy(
                xcat_h.at[srcb.at[ch]], rbufs[b], gsems[b]).wait()

        def sfire(ch, b):
            pltpu.async_copy(rbufs[b], agg.at[dstb.at[ch]], ssems[b],
                             add=True)

        def swait(ch, b):
            pltpu.make_async_copy(
                rbufs[b], agg.at[dstb.at[ch]], ssems[b]).wait()

        gfire(0, 0)
        gfire(1, 1)

        def step(i, carry):
            j0 = i * NB
            for b in range(NB):
                ch = j0 + b
                gwait(ch, b)
                sfire(ch, b)
                b2 = (b + 2) % NB

                @pl.when(ch >= 2)
                def _():
                    swait(ch - 2, b2)

                @pl.when(ch + 2 < NCH)
                def _():
                    gfire(ch + 2, b2)
            return carry

        lax.fori_loop(0, NCH // NB, step, 0)
        swait(NCH - 2, (NCH - 2) % NB)
        swait(NCH - 1, (NCH - 1) % NB)

        plsc.subcore_barrier()
        @pl.when(s != 15)
        def _():
            pltpu.sync_copy(
                agg.at[pl.ds(s * ZROWS, ZROWS)],
                out_h.at[pl.ds(c * N_NODES + s * ZROWS, ZROWS)])

        @pl.when(s == 15)
        def _():
            rem = N_NODES - 15 * ZROWS
            pltpu.sync_copy(
                agg.at[pl.ds(15 * ZROWS, rem)],
                out_h.at[pl.ds(c * N_NODES + 15 * ZROWS, rem)])

    return body(xcat, srcoff, dstp, zblk)


RB = 1000
HB = N_NODES // RB


def _build_body(x_ref, o_ref):
    h = pl.program_id(0)
    i = pl.program_id(1)
    del i
    xb = x_ref[...].astype(jnp.bfloat16)
    ones = jnp.ones((RB, 1), jnp.bfloat16)
    zpad = jnp.zeros((RB, WID - HF - 1), jnp.bfloat16)
    del h
    o_ref[...] = jnp.concatenate([xb, ones, zpad], axis=1)


def _tc_build_table(x):
    return pl.pallas_call(
        _build_body,
        grid=(2, HB),
        in_specs=[pl.BlockSpec((RB, HF), lambda h, i: (i, h))],
        out_specs=pl.BlockSpec((RB, WID), lambda h, i: (h * HB + i, 0)),
        out_shape=jax.ShapeDtypeStruct((2 * N_NODES, WID), jnp.bfloat16),
    )(x)


def _tc_body(a0, a1, x_ref, w_ref, lw_ref, b_ref, o_ref):
    agg = jnp.concatenate(
        [a0[:, :HF], a1[:, :HF]], axis=1).astype(jnp.float32)
    deg = a0[:, HF:HF + 1].astype(jnp.float32)
    scale = 1.0 / jnp.maximum(deg, 1.0)
    o_ref[...] = (
        jnp.dot(agg * scale, w_ref[...], preferred_element_type=jnp.float32)
        + jnp.dot(x_ref[...], lw_ref[...], preferred_element_type=jnp.float32)
        + b_ref[...])


def _tc_combine(outcat, x, W, b, loop_weight):
    half_spec = lambda h: pl.BlockSpec((RB, WID), lambda i, h=h: (i + h * HB, 0))
    return pl.pallas_call(
        _tc_body,
        grid=(HB,),
        in_specs=[
            half_spec(0),
            half_spec(1),
            pl.BlockSpec((RB, F), lambda i: (i, 0)),
            pl.BlockSpec((F, F), lambda i: (0, 0)),
            pl.BlockSpec((F, F), lambda i: (0, 0)),
            pl.BlockSpec((1, F), lambda i: (0, 0)),
        ],
        out_specs=pl.BlockSpec((RB, F), lambda i: (i, 0)),
        out_shape=jax.ShapeDtypeStruct((N_NODES, F), jnp.float32),
    )(outcat, outcat, x, W, loop_weight, b.reshape(1, F))


def kernel(x, edge_index, W, b, loop_weight):
    src = edge_index[0].astype(jnp.int32)
    dst = edge_index[1].astype(jnp.int32)
    pad = EP - N_EDGES
    src_p = jnp.concatenate([src, jnp.zeros((pad,), jnp.int32)])
    dst_p = jnp.concatenate([dst, jnp.full((pad,), DUMMY, jnp.int32)])
    srcoff = jnp.concatenate(
        [src_p, src_p + N_NODES]).reshape(2 * 16 * NCH, CHUNK)
    dstp = dst_p.reshape(16 * NCH, CHUNK)
    xcat = _tc_build_table(x)
    zblk = jnp.zeros((ZROWS, WID), jnp.bfloat16)
    outcat = _sc_aggregate(xcat, srcoff, dstp, zblk)
    return _tc_combine(outcat, x, W, b, loop_weight)

# --- scband reference (transcript-rebuilt; emitter-appended) ---
"""Pipeline reference for scband-graph-conv-layer-17592186044979 (READ-ONLY COPY).

The authoritative reference and input builder live on the scoring server;
editing this copy changes nothing except your own understanding.
"""

import jax, jax.numpy as jnp
import numpy as np

N_NODES = 10000
N_EDGES = 160000
IN_FEAT = 256
OUT_FEAT = 256


def setup_inputs(seed: int = 0) -> dict:
    key = jax.random.key(seed)
    k1, k2, k3, k4, k5 = jax.random.split(key, 5)
    x = jax.random.normal(k1, (N_NODES, IN_FEAT), dtype=jnp.float32)
    edge_index = jax.random.randint(k2, (2, N_EDGES), 0, N_NODES, dtype=jnp.int64)
    # GraphConv weight + bias (single edge type in the hetero dict)
    W = jax.random.normal(k3, (IN_FEAT, OUT_FEAT), dtype=jnp.float32) * (1.0 / np.sqrt(IN_FEAT))
    b = jnp.zeros((OUT_FEAT,), dtype=jnp.float32)
    # self-loop weight (xavier-uniform)
    limit = np.sqrt(6.0 / (IN_FEAT + OUT_FEAT)) * np.sqrt(2.0)
    loop_weight = jax.random.uniform(k4, (IN_FEAT, OUT_FEAT), dtype=jnp.float32, minval=-limit, maxval=limit)
    return {"x": x, "edge_index": edge_index, "W": W, "b": b, "loop_weight": loop_weight}


def reference(x, edge_index, W, b, loop_weight):
    # dgl GraphConv(norm='right'): h = x @ W; aggregate sum over incoming edges;
    # divide by in-degree of destination node; add bias.
    src = edge_index[0]
    dst = edge_index[1]
    h = x @ W                                      # [N, out_feat]
    msg = jnp.take(h, src, axis=0)                 # gather  [E, out_feat]
    agg = jax.ops.segment_sum(msg, dst, num_segments=N_NODES)  # scatter-add
    deg = jax.ops.segment_sum(jnp.ones((N_EDGES,), dtype=jnp.float32), dst, num_segments=N_NODES)
    deg = jnp.clip(deg, 1.0, None)
    out = agg / deg[:, None] + b
    # self-loop branch (HeteroGraphConv 'sum' aggregate then + x @ loop_weight)
    out = out + x @ loop_weight
    # activation=None, dropout=0.0 -> identity
    return out

if __name__ == "__main__":
    import jax
    _d = setup_inputs()
    print(jax.jit(kernel)(*tuple(_d.values())))

</pallas_src>

<mosaic_0001>
#map = affine_map<(d0, d1) -> (0, 0)>
module attributes {stable_mosaic.version = 14 : i64} {
  func.func @body(%arg0: i32, %arg1: i32, %arg2: memref<20000x144xbf16, #tpu.memory_space<hbm>>, %arg3: memref<2560x128xi32, #tpu.memory_space<hbm>>, %arg4: memref<1280x128xi32, #tpu.memory_space<hbm>>, %arg5: memref<640x144xbf16, #tpu.memory_space<hbm>>, %arg6: memref<20000x144xbf16, #tpu.memory_space<hbm>>, %arg7: memref<80x128xi32, #tpu.memory_space<vmem>>, %arg8: memref<80x128xi32, #tpu.memory_space<vmem>>, %arg9: memref<128x144xbf16, #tpu.memory_space<vmem>>, %arg10: memref<128x144xbf16, #tpu.memory_space<vmem>>, %arg11: memref<128x144xbf16, #tpu.memory_space<vmem>>, %arg12: memref<128x144xbf16, #tpu.memory_space<vmem>>, %arg13: memref<10240x144xbf16, #tpu.memory_space<vmem_shared>>, %arg14: memref<!tpu.dma_semaphore, #tpu.memory_space<semaphore_mem>>, %arg15: memref<!tpu.dma_semaphore, #tpu.memory_space<semaphore_mem>>, %arg16: memref<!tpu.dma_semaphore, #tpu.memory_space<semaphore_mem>>, %arg17: memref<!tpu.dma_semaphore, #tpu.memory_space<semaphore_mem>>, %arg18: memref<!tpu.dma_semaphore, #tpu.memory_space<semaphore_mem>>, %arg19: memref<!tpu.dma_semaphore, #tpu.memory_space<semaphore_mem>>, %arg20: memref<!tpu.dma_semaphore, #tpu.memory_space<semaphore_mem>>, %arg21: memref<!tpu.dma_semaphore, #tpu.memory_space<semaphore_mem>>) attributes {dimension_semantics = [#tpu.dimension_semantics<core_parallel>, #tpu.dimension_semantics<subcore_parallel>], iteration_bounds = array<i64: 2, 16>, scalar_prefetch = 0 : i64, scratch_operands = 15 : i64, tpu.core_type = #tpu.core_type<sc_vector_subcore>, window_params = [{transform_indices = #map}, {transform_indices = #map}, {transform_indices = #map}, {transform_indices = #map}, {transform_indices = #map}]} {
    %mul3A = arith.constant 640 : i32
    %mul3A_0 = arith.muli %arg1, %mul3A : i32
    "tpu.region"() ({
      %run_scoped3A = tpu.sem_alloc : memref<!tpu.dma_semaphore, #tpu.memory_space<semaphore_mem>>
      %dma_start3A_45 = arith.constant 0 : i32
      %dma_start3A_46 = tpu.memref_slice %arg13[%mul3A_0, %dma_start3A_45] : memref<10240x144xbf16, #tpu.memory_space<vmem_shared>> -> memref<640x144xbf16, #tpu.memory_space<vmem_shared>>
      tpu.enqueue_dma source(%arg5 : memref<640x144xbf16, #tpu.memory_space<hbm>>) target(%dma_start3A_46 : memref<640x144xbf16, #tpu.memory_space<vmem_shared>>) target_semaphore(%run_scoped3A : memref<!tpu.dma_semaphore, #tpu.memory_space<semaphore_mem>>)
      %dma_wait3A_47 = arith.constant 0 : i32
      %dma_wait3A_48 = tpu.memref_slice %arg13[%mul3A_0, %dma_wait3A_47] : memref<10240x144xbf16, #tpu.memory_space<vmem_shared>> -> memref<640x144xbf16, #tpu.memory_space<vmem_shared>>
      tpu.wait_dma2 semaphore(%run_scoped3A : memref<!tpu.dma_semaphore, #tpu.memory_space<semaphore_mem>>) src(%arg5 : memref<640x144xbf16, #tpu.memory_space<hbm>>) dst(%dma_wait3A_48 : memref<640x144xbf16, #tpu.memory_space<vmem_shared>>)
      tpu.yield
    }) : () -> ()
    %mul3A_1 = arith.constant 16 : i32
    %mul3A_2 = arith.muli %arg0, %mul3A_1 : i32
    %add3A = arith.addi %mul3A_2, %arg1 : i32
    %mul3A_3 = arith.constant 80 : i32
    %mul3A_4 = arith.muli %add3A, %mul3A_3 : i32
    "tpu.region"() ({
      %run_scoped3A = tpu.sem_alloc : memref<!tpu.dma_semaphore, #tpu.memory_space<semaphore_mem>>
      %dma_start3A_45 = arith.constant 0 : i32
      %dma_start3A_46 = tpu.memref_slice %arg3[%mul3A_4, %dma_start3A_45] : memref<2560x128xi32, #tpu.memory_space<hbm>> -> memref<80x128xi32, #tpu.memory_space<hbm>>
      %dma_start3A_47 = arith.constant 0 : i32
      %dma_start3A_48 = tpu.memref_slice %arg3[%mul3A_4, %dma_start3A_47] : memref<2560x128xi32, #tpu.memory_space<hbm>> -> memref<80x128xi32, #tpu.memory_space<hbm>>
      tpu.enqueue_dma source(%dma_start3A_48 : memref<80x128xi32, #tpu.memory_space<hbm>>) target(%arg7 : memref<80x128xi32, #tpu.memory_space<vmem>>) target_semaphore(%run_scoped3A : memref<!tpu.dma_semaphore, #tpu.memory_space<semaphore_mem>>)
      %dma_wait3A_49 = arith.constant 0 : i32
      %dma_wait3A_50 = tpu.memref_slice %arg3[%mul3A_4, %dma_wait3A_49] : memref<2560x128xi32, #tpu.memory_space<hbm>> -> memref<80x128xi32, #tpu.memory_space<hbm>>
      %dma_wait3A_51 = arith.constant 0 : i32
      %dma_wait3A_52 = tpu.memref_slice %arg3[%mul3A_4, %dma_wait3A_51] : memref<2560x128xi32, #tpu.memory_space<hbm>> -> memref<80x128xi32, #tpu.memory_space<hbm>>
      tpu.wait_dma2 semaphore(%run_scoped3A : memref<!tpu.dma_semaphore, #tpu.memory_space<semaphore_mem>>) src(%dma_wait3A_52 : memref<80x128xi32, #tpu.memory_space<hbm>>) dst(%arg7 : memref<80x128xi32, #tpu.memory_space<vmem>>)
      tpu.yield
    }) : () -> ()
    %mul3A_5 = arith.constant 80 : i32
    %mul3A_6 = arith.muli %arg1, %mul3A_5 : i32
    "tpu.region"() ({
      %run_scoped3A = tpu.sem_alloc : memref<!tpu.dma_semaphore, #tpu.memory_space<semaphore_mem>>
      %dma_start3A_45 = arith.constant 0 : i32
      %dma_start3A_46 = tpu.memref_slice %arg4[%mul3A_6, %dma_start3A_45] : memref<1280x128xi32, #tpu.memory_space<hbm>> -> memref<80x128xi32, #tpu.memory_space<hbm>>
      %dma_start3A_47 = arith.constant 0 : i32
      %dma_start3A_48 = tpu.memref_slice %arg4[%mul3A_6, %dma_start3A_47] : memref<1280x128xi32, #tpu.memory_space<hbm>> -> memref<80x128xi32, #tpu.memory_space<hbm>>
      tpu.enqueue_dma source(%dma_start3A_48 : memref<80x128xi32, #tpu.memory_space<hbm>>) target(%arg8 : memref<80x128xi32, #tpu.memory_space<vmem>>) target_semaphore(%run_scoped3A : memref<!tpu.dma_semaphore, #tpu.memory_space<semaphore_mem>>)
      %dma_wait3A_49 = arith.constant 0 : i32
      %dma_wait3A_50 = tpu.memref_slice %arg4[%mul3A_6, %dma_wait3A_49] : memref<1280x128xi32, #tpu.memory_space<hbm>> -> memref<80x128xi32, #tpu.memory_space<hbm>>
      %dma_wait3A_51 = arith.constant 0 : i32
      %dma_wait3A_52 = tpu.memref_slice %arg4[%mul3A_6, %dma_wait3A_51] : memref<1280x128xi32, #tpu.memory_space<hbm>> -> memref<80x128xi32, #tpu.memory_space<hbm>>
      tpu.wait_dma2 semaphore(%run_scoped3A : memref<!tpu.dma_semaphore, #tpu.memory_space<semaphore_mem>>) src(%dma_wait3A_52 : memref<80x128xi32, #tpu.memory_space<hbm>>) dst(%arg8 : memref<80x128xi32, #tpu.memory_space<vmem>>)
      tpu.yield
    }) : () -> ()
    %barrier3A = arith.constant 0 : index
    tpu.barrier barrier_id(%barrier3A)
    %dma_start3A = arith.constant 0 : i32
    %dma_start3A_7 = arith.constant 0 : i32
    %dma_start3A_8 = tpu.memref_slice %arg7[%dma_start3A, %dma_start3A_7] : memref<80x128xi32, #tpu.memory_space<vmem>> -> memref<1x128xi32, #tpu.memory_space<vmem>>
    %dma_start3A_9 = tpu.memref_squeeze %dma_start3A_8 : memref<1x128xi32, #tpu.memory_space<vmem>> -> memref<128xi32, #tpu.memory_space<vmem>>
    %dma_start3A_10 = arith.constant 0 : i32
    %dma_start3A_11 = arith.constant 0 : i32
    %dma_start3A_12 = tpu.memref_slice %arg2[%dma_start3A_10, %dma_start3A_11] : memref<20000x144xbf16, #tpu.memory_space<hbm>> -> memref<20000x144xbf16, #tpu.memory_space<hbm>>
    tpu.enqueue_indirect_dma source(%dma_start3A_12 : memref<20000x144xbf16, #tpu.memory_space<hbm>>) target(%arg9 : memref<128x144xbf16, #tpu.memory_space<vmem>>) offsets(%dma_start3A_9 : memref<128xi32, #tpu.memory_space<vmem>>) semaphore(%arg14 : memref<!tpu.dma_semaphore, #tpu.memory_space<semaphore_mem>>)
    %dma_start3A_13 = arith.constant 1 : i32
    %dma_start3A_14 = arith.constant 0 : i32
    %dma_start3A_15 = tpu.memref_slice %arg7[%dma_start3A_13, %dma_start3A_14] : memref<80x128xi32, #tpu.memory_space<vmem>> -> memref<1x128xi32, #tpu.memory_space<vmem>>
    %dma_start3A_16 = tpu.memref_squeeze %dma_start3A_15 : memref<1x128xi32, #tpu.memory_space<vmem>> -> memref<128xi32, #tpu.memory_space<vmem>>
    %dma_start3A_17 = arith.constant 0 : i32
    %dma_start3A_18 = arith.constant 0 : i32
    %dma_start3A_19 = tpu.memref_slice %arg2[%dma_start3A_17, %dma_start3A_18] : memref<20000x144xbf16, #tpu.memory_space<hbm>> -> memref<20000x144xbf16, #tpu.memory_space<hbm>>
    tpu.enqueue_indirect_dma source(%dma_start3A_19 : memref<20000x144xbf16, #tpu.memory_space<hbm>>) target(%arg10 : memref<128x144xbf16, #tpu.memory_space<vmem>>) offsets(%dma_start3A_16 : memref<128xi32, #tpu.memory_space<vmem>>) semaphore(%arg15 : memref<!tpu.dma_semaphore, #tpu.memory_space<semaphore_mem>>)
    %scan3A = arith.constant 0 : i32
    %scan3A_20 = arith.constant 0 : i32
    %scan3A_21 = arith.constant 20 : i32
    %scan3A_22 = arith.addi %scan3A_20, %scan3A_21 : i32
    %scan3A_23 = arith.constant 1 : i32
    scf.for %scan3A_45 = %scan3A_20 to %scan3A_22 step %scan3A_23  : i32 {
      %mul3A_46 = arith.constant 4 : i32
      %mul3A_47 = arith.muli %scan3A_45, %mul3A_46 : i32
      %add3A_48 = arith.constant 0 : i32
      %add3A_49 = arith.addi %mul3A_47, %add3A_48 : i32
      %dma_wait3A_50 = arith.constant 0 : i32
      %dma_wait3A_51 = tpu.memref_slice %arg7[%add3A_49, %dma_wait3A_50] : memref<80x128xi32, #tpu.memory_space<vmem>> -> memref<1x128xi32, #tpu.memory_space<vmem>>
      %dma_wait3A_52 = tpu.memref_squeeze %dma_wait3A_51 : memref<1x128xi32, #tpu.memory_space<vmem>> -> memref<128xi32, #tpu.memory_space<vmem>>
      %dma_wait3A_53 = arith.constant 0 : i32
      %dma_wait3A_54 = arith.constant 0 : i32
      %dma_wait3A_55 = tpu.memref_slice %arg2[%dma_wait3A_53, %dma_wait3A_54] : memref<20000x144xbf16, #tpu.memory_space<hbm>> -> memref<20000x144xbf16, #tpu.memory_space<hbm>>
      tpu.wait_indirect_dma semaphore(%arg14 : memref<!tpu.dma_semaphore, #tpu.memory_space<semaphore_mem>>) src(%dma_wait3A_55 : memref<20000x144xbf16, #tpu.memory_space<hbm>>) dst(%arg9 : memref<128x144xbf16, #tpu.memory_space<vmem>>)
      %dma_start3A_56 = arith.constant 0 : i32
      %dma_start3A_57 = tpu.memref_slice %arg8[%add3A_49, %dma_start3A_56] : memref<80x128xi32, #tpu.memory_space<vmem>> -> memref<1x128xi32, #tpu.memory_space<vmem>>
      %dma_start3A_58 = tpu.memref_squeeze %dma_start3A_57 : memref<1x128xi32, #tpu.memory_space<vmem>> -> memref<128xi32, #tpu.memory_space<vmem>>
      %dma_start3A_59 = arith.constant 0 : i32
      %dma_start3A_60 = arith.constant 0 : i32
      %dma_start3A_61 = tpu.memref_slice %arg13[%dma_start3A_59, %dma_start3A_60] : memref<10240x144xbf16, #tpu.memory_space<vmem_shared>> -> memref<10240x144xbf16, #tpu.memory_space<vmem_shared>>
      tpu.enqueue_indirect_dma source(%arg9 : memref<128x144xbf16, #tpu.memory_space<vmem>>) target(%dma_start3A_61 : memref<10240x144xbf16, #tpu.memory_space<vmem_shared>>) offsets(%dma_start3A_58 : memref<128xi32, #tpu.memory_space<vmem>>) semaphore(%arg18 : memref<!tpu.dma_semaphore, #tpu.memory_space<semaphore_mem>>) {add = true}
      %ge3A = arith.constant 2 : i32
      %ge3A_62 = arith.cmpi sge, %add3A_49, %ge3A : i32
      %convert_element_type3A_63 = arith.extui %ge3A_62 : i1 to i32
      %cond3A_64 = arith.constant 0 : i32
      %cond3A_65 = arith.cmpi ne, %convert_element_type3A_63, %cond3A_64 : i32
      scf.if %cond3A_65 {
        %sub3A = arith.constant 2 : i32
        %sub3A_150 = arith.subi %add3A_49, %sub3A : i32
        %dma_wait3A_151 = arith.constant 0 : i32
        %dma_wait3A_152 = tpu.memref_slice %arg8[%sub3A_150, %dma_wait3A_151] : memref<80x128xi32, #tpu.memory_space<vmem>> -> memref<1x128xi32, #tpu.memory_space<vmem>>
        %dma_wait3A_153 = tpu.memref_squeeze %dma_wait3A_152 : memref<1x128xi32, #tpu.memory_space<vmem>> -> memref<128xi32, #tpu.memory_space<vmem>>
        %dma_wait3A_154 = arith.constant 0 : i32
        %dma_wait3A_155 = arith.constant 0 : i32
        %dma_wait3A_156 = tpu.memref_slice %arg13[%dma_wait3A_154, %dma_wait3A_155] : memref<10240x144xbf16, #tpu.memory_space<vmem_shared>> -> memref<10240x144xbf16, #tpu.memory_space<vmem_shared>>
        tpu.wait_indirect_dma semaphore(%arg20 : memref<!tpu.dma_semaphore, #tpu.memory_space<semaphore_mem>>) src(%arg11 : memref<128x144xbf16, #tpu.memory_space<vmem>>) dst(%dma_wait3A_156 : memref<10240x144xbf16, #tpu.memory_space<vmem_shared>>)
      } else {
      }
      %add3A_66 = arith.constant 2 : i32
      %add3A_67 = arith.addi %add3A_49, %add3A_66 : i32
      %lt3A = arith.constant 80 : i32
      %lt3A_68 = arith.cmpi slt, %add3A_67, %lt3A : i32
      %convert_element_type3A_69 = arith.extui %lt3A_68 : i1 to i32
      %cond3A_70 = arith.constant 0 : i32
      %cond3A_71 = arith.cmpi ne, %convert_element_type3A_69, %cond3A_70 : i32
      scf.if %cond3A_71 {
        %add3A_150 = arith.constant 2 : i32
        %add3A_151 = arith.addi %add3A_49, %add3A_150 : i32
        %dma_start3A_152 = arith.constant 0 : i32
        %dma_start3A_153 = tpu.memref_slice %arg7[%add3A_151, %dma_start3A_152] : memref<80x128xi32, #tpu.memory_space<vmem>> -> memref<1x128xi32, #tpu.memory_space<vmem>>
        %dma_start3A_154 = tpu.memref_squeeze %dma_start3A_153 : memref<1x128xi32, #tpu.memory_space<vmem>> -> memref<128xi32, #tpu.memory_space<vmem>>
        %dma_start3A_155 = arith.constant 0 : i32
        %dma_start3A_156 = arith.constant 0 : i32
        %dma_start3A_157 = tpu.memref_slice %arg2[%dma_start3A_155, %dma_start3A_156] : memref<20000x144xbf16, #tpu.memory_space<hbm>> -> memref<20000x144xbf16, #tpu.memory_space<hbm>>
        tpu.enqueue_indirect_dma source(%dma_start3A_157 : memref<20000x144xbf16, #tpu.memory_space<hbm>>) target(%arg11 : memref<128x144xbf16, #tpu.memory_space<vmem>>) offsets(%dma_start3A_154 : memref<128xi32, #tpu.memory_space<vmem>>) semaphore(%arg16 : memref<!tpu.dma_semaphore, #tpu.memory_space<semaphore_mem>>)
      } else {
      }
      %add3A_72 = arith.constant 1 : i32
      %add3A_73 = arith.addi %mul3A_47, %add3A_72 : i32
      %dma_wait3A_74 = arith.constant 0 : i32
      %dma_wait3A_75 = tpu.memref_slice %arg7[%add3A_73, %dma_wait3A_74] : memref<80x128xi32, #tpu.memory_space<vmem>> -> memref<1x128xi32, #tpu.memory_space<vmem>>
      %dma_wait3A_76 = tpu.memref_squeeze %dma_wait3A_75 : memref<1x128xi32, #tpu.memory_space<vmem>> -> memref<128xi32, #tpu.memory_space<vmem>>
      %dma_wait3A_77 = arith.constant 0 : i32
      %dma_wait3A_78 = arith.constant 0 : i32
      %dma_wait3A_79 = tpu.memref_slice %arg2[%dma_wait3A_77, %dma_wait3A_78] : memref<20000x144xbf16, #tpu.memory_space<hbm>> -> memref<20000x144xbf16, #tpu.memory_space<hbm>>
      tpu.wait_indirect_dma semaphore(%arg15 : memref<!tpu.dma_semaphore, #tpu.memory_space<semaphore_mem>>) src(%dma_wait3A_79 : memref<20000x144xbf16, #tpu.memory_space<hbm>>) dst(%arg10 : memref<128x144xbf16, #tpu.memory_space<vmem>>)
      %dma_start3A_80 = arith.constant 0 : i32
      %dma_start3A_81 = tpu.memref_slice %arg8[%add3A_73, %dma_start3A_80] : memref<80x128xi32, #tpu.memory_space<vmem>> -> memref<1x128xi32, #tpu.memory_space<vmem>>
      %dma_start3A_82 = tpu.memref_squeeze %dma_start3A_81 : memref<1x128xi32, #tpu.memory_space<vmem>> -> memref<128xi32, #tpu.memory_space<vmem>>
      %dma_start3A_83 = arith.constant 0 : i32
      %dma_start3A_84 = arith.constant 0 : i32
      %dma_start3A_85 = tpu.memref_slice %arg13[%dma_start3A_83, %dma_start3A_84] : memref<10240x144xbf16, #tpu.memory_space<vmem_shared>> -> memref<10240x144xbf16, #tpu.memory_space<vmem_shared>>
      tpu.enqueue_indirect_dma source(%arg10 : memref<128x144xbf16, #tpu.memory_space<vmem>>) target(%dma_start3A_85 : memref<10240x144xbf16, #tpu.memory_space<vmem_shared>>) offsets(%dma_start3A_82 : memref<128xi32, #tpu.memory_space<vmem>>) semaphore(%arg19 : memref<!tpu.dma_semaphore, #tpu.memory_space<semaphore_mem>>) {add = true}
      %ge3A_86 = arith.constant 2 : i32
      %ge3A_87 = arith.cmpi sge, %add3A_73, %ge3A_86 : i32
      %convert_element_type3A_88 = arith.extui %ge3A_87 : i1 to i32
      %cond3A_89 = arith.constant 0 : i32
      %cond3A_90 = arith.cmpi ne, %convert_element_type3A_88, %cond3A_89 : i32
      scf.if %cond3A_90 {
        %sub3A = arith.constant 2 : i32
        %sub3A_150 = arith.subi %add3A_73, %sub3A : i32
        %dma_wait3A_151 = arith.constant 0 : i32
        %dma_wait3A_152 = tpu.memref_slice %arg8[%sub3A_150, %dma_wait3A_151] : memref<80x128xi32, #tpu.memory_space<vmem>> -> memref<1x128xi32, #tpu.memory_space<vmem>>
        %dma_wait3A_153 = tpu.memref_squeeze %dma_wait3A_152 : memref<1x128xi32, #tpu.memory_space<vmem>> -> memref<128xi32, #tpu.memory_space<vmem>>
        %dma_wait3A_154 = arith.constant 0 : i32
        %dma_wait3A_155 = arith.constant 0 : i32
        %dma_wait3A_156 = tpu.memref_slice %arg13[%dma_wait3A_154, %dma_wait3A_155] : memref<10240x144xbf16, #tpu.memory_space<vmem_shared>> -> memref<10240x144xbf16, #tpu.memory_space<vmem_shared>>
        tpu.wait_indirect_dma semaphore(%arg21 : memref<!tpu.dma_semaphore, #tpu.memory_space<semaphore_mem>>) src(%arg12 : memref<128x144xbf16, #tpu.memory_space<vmem>>) dst(%dma_wait3A_156 : memref<10240x144xbf16, #tpu.memory_space<vmem_shared>>)
      } else {
      }
      %add3A_91 = arith.constant 2 : i32
      %add3A_92 = arith.addi %add3A_73, %add3A_91 : i32
      %lt3A_93 = arith.constant 80 : i32
      %lt3A_94 = arith.cmpi slt, %add3A_92, %lt3A_93 : i32
      %convert_element_type3A_95 = arith.extui %lt3A_94 : i1 to i32
      %cond3A_96 = arith.constant 0 : i32
      %cond3A_97 = arith.cmpi ne, %convert_element_type3A_95, %cond3A_96 : i32
      scf.if %cond3A_97 {
        %add3A_150 = arith.constant 2 : i32
        %add3A_151 = arith.addi %add3A_73, %add3A_150 : i32
        %dma_start3A_152 = arith.constant 0 : i32
        %dma_start3A_153 = tpu.memref_slice %arg7[%add3A_151, %dma_start3A_152] : memref<80x128xi32, #tpu.memory_space<vmem>> -> memref<1x128xi32, #tpu.memory_space<vmem>>
        %dma_start3A_154 = tpu.memref_squeeze %dma_start3A_153 : memref<1x128xi32, #tpu.memory_space<vmem>> -> memref<128xi32, #tpu.memory_space<vmem>>
        %dma_start3A_155 = arith.constant 0 : i32
        %dma_start3A_156 = arith.constant 0 : i32
        %dma_start3A_157 = tpu.memref_slice %arg2[%dma_start3A_155, %dma_start3A_156] : memref<20000x144xbf16, #tpu.memory_space<hbm>> -> memref<20000x144xbf16, #tpu.memory_space<hbm>>
        tpu.enqueue_indirect_dma source(%dma_start3A_157 : memref<20000x144xbf16, #tpu.memory_space<hbm>>) target(%arg12 : memref<128x144xbf16, #tpu.memory_space<vmem>>) offsets(%dma_start3A_154 : memref<128xi32, #tpu.memory_space<vmem>>) semaphore(%arg17 : memref<!tpu.dma_semaphore, #tpu.memory_space<semaphore_mem>>)
      } else {
      }
      %add3A_98 = arith.constant 2 : i32
      %add3A_99 = arith.addi %mul3A_47, %add3A_98 : i32
      %dma_wait3A_100 = arith.constant 0 : i32
      %dma_wait3A_101 = tpu.memref_slice %arg7[%add3A_99, %dma_wait3A_100] : memref<80x128xi32, #tpu.memory_space<vmem>> -> memref<1x128xi32, #tpu.memory_space<vmem>>
      %dma_wait3A_102 = tpu.memref_squeeze %dma_wait3A_101 : memref<1x128xi32, #tpu.memory_space<vmem>> -> memref<128xi32, #tpu.memory_space<vmem>>
      %dma_wait3A_103 = arith.constant 0 : i32
      %dma_wait3A_104 = arith.constant 0 : i32
      %dma_wait3A_105 = tpu.memref_slice %arg2[%dma_wait3A_103, %dma_wait3A_104] : memref<20000x144xbf16, #tpu.memory_space<hbm>> -> memref<20000x144xbf16, #tpu.memory_space<hbm>>
      tpu.wait_indirect_dma semaphore(%arg16 : memref<!tpu.dma_semaphore, #tpu.memory_space<semaphore_mem>>) src(%dma_wait3A_105 : memref<20000x144xbf16, #tpu.memory_space<hbm>>) dst(%arg11 : memref<128x144xbf16, #tpu.memory_space<vmem>>)
      %dma_start3A_106 = arith.constant 0 : i32
      %dma_start3A_107 = tpu.memref_slice %arg8[%add3A_99, %dma_start3A_106] : memref<80x128xi32, #tpu.memory_space<vmem>> -> memref<1x128xi32, #tpu.memory_space<vmem>>
      %dma_start3A_108 = tpu.memref_squeeze %dma_start3A_107 : memref<1x128xi32, #tpu.memory_space<vmem>> -> memref<128xi32, #tpu.memory_space<vmem>>
      %dma_start3A_109 = arith.constant 0 : i32
      %dma_start3A_110 = arith.constant 0 : i32
      %dma_start3A_111 = tpu.memref_slice %arg13[%dma_start3A_109, %dma_start3A_110] : memref<10240x144xbf16, #tpu.memory_space<vmem_shared>> -> memref<10240x144xbf16, #tpu.memory_space<vmem_shared>>
      tpu.enqueue_indirect_dma source(%arg11 : memref<128x144xbf16, #tpu.memory_space<vmem>>) target(%dma_start3A_111 : memref<10240x144xbf16, #tpu.memory_space<vmem_shared>>) offsets(%dma_start3A_108 : memref<128xi32, #tpu.memory_space<vmem>>) semaphore(%arg20 : memref<!tpu.dma_semaphore, #tpu.memory_space<semaphore_mem>>) {add = true}
      %ge3A_112 = arith.constant 2 : i32
      %ge3A_113 = arith.cmpi sge, %add3A_99, %ge3A_112 : i32
      %convert_element_type3A_114 = arith.extui %ge3A_113 : i1 to i32
      %cond3A_115 = arith.constant 0 : i32
      %cond3A_116 = arith.cmpi ne, %convert_element_type3A_114, %cond3A_115 : i32
      scf.if %cond3A_116 {
        %sub3A = arith.constant 2 : i32
        %sub3A_150 = arith.subi %add3A_99, %sub3A : i32
        %dma_wait3A_151 = arith.constant 0 : i32
        %dma_wait3A_152 = tpu.memref_slice %arg8[%sub3A_150, %dma_wait3A_151] : memref<80x128xi32, #tpu.memory_space<vmem>> -> memref<1x128xi32, #tpu.memory_space<vmem>>
        %dma_wait3A_153 = tpu.memref_squeeze %dma_wait3A_152 : memref<1x128xi32, #tpu.memory_space<vmem>> -> memref<128xi32, #tpu.memory_space<vmem>>
        %dma_wait3A_154 = arith.constant 0 : i32
        %dma_wait3A_155 = arith.constant 0 : i32
        %dma_wait3A_156 = tpu.memref_slice %arg13[%dma_wait3A_154, %dma_wait3A_155] : memref<10240x144xbf16, #tpu.memory_space<vmem_shared>> -> memref<10240x144xbf16, #tpu.memory_space<vmem_shared>>
        tpu.wait_indirect_dma semaphore(%arg18 : memref<!tpu.dma_semaphore, #tpu.memory_space<semaphore_mem>>) src(%arg9 : memref<128x144xbf16, #tpu.memory_space<vmem>>) dst(%dma_wait3A_156 : memref<10240x144xbf16, #tpu.memory_space<vmem_shared>>)
      } else {
      }
      %add3A_117 = arith.constant 2 : i32
      %add3A_118 = arith.addi %add3A_99, %add3A_117 : i32
      %lt3A_119 = arith.constant 80 : i32
      %lt3A_120 = arith.cmpi slt, %add3A_118, %lt3A_119 : i32
      %convert_element_type3A_121 = arith.extui %lt3A_120 : i1 to i32
      %cond3A_122 = arith.constant 0 : i32
      %cond3A_123 = arith.cmpi ne, %convert_element_type3A_121, %cond3A_122 : i32
      scf.if %cond3A_123 {
        %add3A_150 = arith.constant 2 : i32
        %add3A_151 = arith.addi %add3A_99, %add3A_150 : i32
        %dma_start3A_152 = arith.constant 0 : i32
        %dma_start3A_153 = tpu.memref_slice %arg7[%add3A_151, %dma_start3A_152] : memref<80x128xi32, #tpu.memory_space<vmem>> -> memref<1x128xi32, #tpu.memory_space<vmem>>
        %dma_start3A_154 = tpu.memref_squeeze %dma_start3A_153 : memref<1x128xi32, #tpu.memory_space<vmem>> -> memref<128xi32, #tpu.memory_space<vmem>>
        %dma_start3A_155 = arith.constant 0 : i32
        %dma_start3A_156 = arith.constant 0 : i32
        %dma_start3A_157 = tpu.memref_slice %arg2[%dma_start3A_155, %dma_start3A_156] : memref<20000x144xbf16, #tpu.memory_space<hbm>> -> memref<20000x144xbf16, #tpu.memory_space<hbm>>
        tpu.enqueue_indirect_dma source(%dma_start3A_157 : memref<20000x144xbf16, #tpu.memory_space<hbm>>) target(%arg9 : memref<128x144xbf16, #tpu.memory_space<vmem>>) offsets(%dma_start3A_154 : memref<128xi32, #tpu.memory_space<vmem>>) semaphore(%arg14 : memref<!tpu.dma_semaphore, #tpu.memory_space<semaphore_mem>>)
      } else {
      }
      %add3A_124 = arith.constant 3 : i32
      %add3A_125 = arith.addi %mul3A_47, %add3A_124 : i32
      %dma_wait3A_126 = arith.constant 0 : i32
      %dma_wait3A_127 = tpu.memref_slice %arg7[%add3A_125, %dma_wait3A_126] : memref<80x128xi32, #tpu.memory_space<vmem>> -> memref<1x128xi32, #tpu.memory_space<vmem>>
      %dma_wait3A_128 = tpu.memref_squeeze %dma_wait3A_127 : memref<1x128xi32, #tpu.memory_space<vmem>> -> memref<128xi32, #tpu.memory_space<vmem>>
      %dma_wait3A_129 = arith.constant 0 : i32
      %dma_wait3A_130 = arith.constant 0 : i32
      %dma_wait3A_131 = tpu.memref_slice %arg2[%dma_wait3A_129, %dma_wait3A_130] : memref<20000x144xbf16, #tpu.memory_space<hbm>> -> memref<20000x144xbf16, #tpu.memory_space<hbm>>
      tpu.wait_indirect_dma semaphore(%arg17 : memref<!tpu.dma_semaphore, #tpu.memory_space<semaphore_mem>>) src(%dma_wait3A_131 : memref<20000x144xbf16, #tpu.memory_space<hbm>>) dst(%arg12 : memref<128x144xbf16, #tpu.memory_space<vmem>>)
      %dma_start3A_132 = arith.constant 0 : i32
      %dma_start3A_133 = tpu.memref_slice %arg8[%add3A_125, %dma_start3A_132] : memref<80x128xi32, #tpu.memory_space<vmem>> -> memref<1x128xi32, #tpu.memory_space<vmem>>
      %dma_start3A_134 = tpu.memref_squeeze %dma_start3A_133 : memref<1x128xi32, #tpu.memory_space<vmem>> -> memref<128xi32, #tpu.memory_space<vmem>>
      %dma_start3A_135 = arith.constant 0 : i32
      %dma_start3A_136 = arith.constant 0 : i32
      %dma_start3A_137 = tpu.memref_slice %arg13[%dma_start3A_135, %dma_start3A_136] : memref<10240x144xbf16, #tpu.memory_space<vmem_shared>> -> memref<10240x144xbf16, #tpu.memory_space<vmem_shared>>
      tpu.enqueue_indirect_dma source(%arg12 : memref<128x144xbf16, #tpu.memory_space<vmem>>) target(%dma_start3A_137 : memref<10240x144xbf16, #tpu.memory_space<vmem_shared>>) offsets(%dma_start3A_134 : memref<128xi32, #tpu.memory_space<vmem>>) semaphore(%arg21 : memref<!tpu.dma_semaphore, #tpu.memory_space<semaphore_mem>>) {add = true}
      %ge3A_138 = arith.constant 2 : i32
      %ge3A_139 = arith.cmpi sge, %add3A_125, %ge3A_138 : i32
      %convert_element_type3A_140 = arith.extui %ge3A_139 : i1 to i32
      %cond3A_141 = arith.constant 0 : i32
      %cond3A_142 = arith.cmpi ne, %convert_element_type3A_140, %cond3A_141 : i32
      scf.if %cond3A_142 {
        %sub3A = arith.constant 2 : i32
        %sub3A_150 = arith.subi %add3A_125, %sub3A : i32
        %dma_wait3A_151 = arith.constant 0 : i32
        %dma_wait3A_152 = tpu.memref_slice %arg8[%sub3A_150, %dma_wait3A_151] : memref<80x128xi32, #tpu.memory_space<vmem>> -> memref<1x128xi32, #tpu.memory_space<vmem>>
        %dma_wait3A_153 = tpu.memref_squeeze %dma_wait3A_152 : memref<1x128xi32, #tpu.memory_space<vmem>> -> memref<128xi32, #tpu.memory_space<vmem>>
        %dma_wait3A_154 = arith.constant 0 : i32
        %dma_wait3A_155 = arith.constant 0 : i32
        %dma_wait3A_156 = tpu.memref_slice %arg13[%dma_wait3A_154, %dma_wait3A_155] : memref<10240x144xbf16, #tpu.memory_space<vmem_shared>> -> memref<10240x144xbf16, #tpu.memory_space<vmem_shared>>
        tpu.wait_indirect_dma semaphore(%arg19 : memref<!tpu.dma_semaphore, #tpu.memory_space<semaphore_mem>>) src(%arg10 : memref<128x144xbf16, #tpu.memory_space<vmem>>) dst(%dma_wait3A_156 : memref<10240x144xbf16, #tpu.memory_space<vmem_shared>>)
      } else {
      }
      %add3A_143 = arith.constant 2 : i32
      %add3A_144 = arith.addi %add3A_125, %add3A_143 : i32
      %lt3A_145 = arith.constant 80 : i32
      %lt3A_146 = arith.cmpi slt, %add3A_144, %lt3A_145 : i32
      %convert_element_type3A_147 = arith.extui %lt3A_146 : i1 to i32
      %cond3A_148 = arith.constant 0 : i32
      %cond3A_149 = arith.cmpi ne, %convert_element_type3A_147, %cond3A_148 : i32
      scf.if %cond3A_149 {
        %add3A_150 = arith.constant 2 : i32
        %add3A_151 = arith.addi %add3A_125, %add3A_150 : i32
        %dma_start3A_152 = arith.constant 0 : i32
        %dma_start3A_153 = tpu.memref_slice %arg7[%add3A_151, %dma_start3A_152] : memref<80x128xi32, #tpu.memory_space<vmem>> -> memref<1x128xi32, #tpu.memory_space<vmem>>
        %dma_start3A_154 = tpu.memref_squeeze %dma_start3A_153 : memref<1x128xi32, #tpu.memory_space<vmem>> -> memref<128xi32, #tpu.memory_space<vmem>>
        %dma_start3A_155 = arith.constant 0 : i32
        %dma_start3A_156 = arith.constant 0 : i32
        %dma_start3A_157 = tpu.memref_slice %arg2[%dma_start3A_155, %dma_start3A_156] : memref<20000x144xbf16, #tpu.memory_space<hbm>> -> memref<20000x144xbf16, #tpu.memory_space<hbm>>
        tpu.enqueue_indirect_dma source(%dma_start3A_157 : memref<20000x144xbf16, #tpu.memory_space<hbm>>) target(%arg10 : memref<128x144xbf16, #tpu.memory_space<vmem>>) offsets(%dma_start3A_154 : memref<128xi32, #tpu.memory_space<vmem>>) semaphore(%arg15 : memref<!tpu.dma_semaphore, #tpu.memory_space<semaphore_mem>>)
      } else {
      }
    }
    %scan3A_24 = arith.constant 20 : i32
    %dma_wait3A = arith.constant 78 : i32
    %dma_wait3A_25 = arith.constant 0 : i32
    %dma_wait3A_26 = tpu.memref_slice %arg8[%dma_wait3A, %dma_wait3A_25] : memref<80x128xi32, #tpu.memory_space<vmem>> -> memref<1x128xi32, #tpu.memory_space<vmem>>
    %dma_wait3A_27 = tpu.memref_squeeze %dma_wait3A_26 : memref<1x128xi32, #tpu.memory_space<vmem>> -> memref<128xi32, #tpu.memory_space<vmem>>
    %dma_wait3A_28 = arith.constant 0 : i32
    %dma_wait3A_29 = arith.constant 0 : i32
    %dma_wait3A_30 = tpu.memref_slice %arg13[%dma_wait3A_28, %dma_wait3A_29] : memref<10240x144xbf16, #tpu.memory_space<vmem_shared>> -> memref<10240x144xbf16, #tpu.memory_space<vmem_shared>>
    tpu.wait_indirect_dma semaphore(%arg20 : memref<!tpu.dma_semaphore, #tpu.memory_space<semaphore_mem>>) src(%arg11 : memref<128x144xbf16, #tpu.memory_space<vmem>>) dst(%dma_wait3A_30 : memref<10240x144xbf16, #tpu.memory_space<vmem_shared>>)
    %dma_wait3A_31 = arith.constant 79 : i32
    %dma_wait3A_32 = arith.constant 0 : i32
    %dma_wait3A_33 = tpu.memref_slice %arg8[%dma_wait3A_31, %dma_wait3A_32] : memref<80x128xi32, #tpu.memory_space<vmem>> -> memref<1x128xi32, #tpu.memory_space<vmem>>
    %dma_wait3A_34 = tpu.memref_squeeze %dma_wait3A_33 : memref<1x128xi32, #tpu.memory_space<vmem>> -> memref<128xi32, #tpu.memory_space<vmem>>
    %dma_wait3A_35 = arith.constant 0 : i32
    %dma_wait3A_36 = arith.constant 0 : i32
    %dma_wait3A_37 = tpu.memref_slice %arg13[%dma_wait3A_35, %dma_wait3A_36] : memref<10240x144xbf16, #tpu.memory_space<vmem_shared>> -> memref<10240x144xbf16, #tpu.memory_space<vmem_shared>>
    tpu.wait_indirect_dma semaphore(%arg21 : memref<!tpu.dma_semaphore, #tpu.memory_space<semaphore_mem>>) src(%arg12 : memref<128x144xbf16, #tpu.memory_space<vmem>>) dst(%dma_wait3A_37 : memref<10240x144xbf16, #tpu.memory_space<vmem_shared>>)
    %barrier3A_38 = arith.constant 0 : index
    tpu.barrier barrier_id(%barrier3A_38)
    %ne3A = arith.constant 15 : i32
    %ne3A_39 = arith.cmpi ne, %arg1, %ne3A : i32
    %convert_element_type3A = arith.extui %ne3A_39 : i1 to i32
    %cond3A = arith.constant 0 : i32
    %cond3A_40 = arith.cmpi ne, %convert_element_type3A, %cond3A : i32
    scf.if %cond3A_40 {
      %mul3A_45 = arith.constant 640 : i32
      %mul3A_46 = arith.muli %arg1, %mul3A_45 : i32
      %mul3A_47 = arith.constant 10000 : i32
      %mul3A_48 = arith.muli %arg0, %mul3A_47 : i32
      %mul3A_49 = arith.constant 640 : i32
      %mul3A_50 = arith.muli %arg1, %mul3A_49 : i32
      %add3A_51 = arith.addi %mul3A_48, %mul3A_50 : i32
      "tpu.region"() ({
        %run_scoped3A = tpu.sem_alloc : memref<!tpu.dma_semaphore, #tpu.memory_space<semaphore_mem>>
        %dma_start3A_52 = arith.constant 0 : i32
        %dma_start3A_53 = tpu.memref_slice %arg6[%add3A_51, %dma_start3A_52] : memref<20000x144xbf16, #tpu.memory_space<hbm>> -> memref<640x144xbf16, #tpu.memory_space<hbm>>
        %dma_start3A_54 = arith.constant 0 : i32
        %dma_start3A_55 = tpu.memref_slice %arg13[%mul3A_46, %dma_start3A_54] : memref<10240x144xbf16, #tpu.memory_space<vmem_shared>> -> memref<640x144xbf16, #tpu.memory_space<vmem_shared>>
        tpu.enqueue_dma source(%dma_start3A_55 : memref<640x144xbf16, #tpu.memory_space<vmem_shared>>) target(%dma_start3A_53 : memref<640x144xbf16, #tpu.memory_space<hbm>>) target_semaphore(%run_scoped3A : memref<!tpu.dma_semaphore, #tpu.memory_space<semaphore_mem>>)
        %dma_wait3A_56 = arith.constant 0 : i32
        %dma_wait3A_57 = tpu.memref_slice %arg6[%add3A_51, %dma_wait3A_56] : memref<20000x144xbf16, #tpu.memory_space<hbm>> -> memref<640x144xbf16, #tpu.memory_space<hbm>>
        %dma_wait3A_58 = arith.constant 0 : i32
        %dma_wait3A_59 = tpu.memref_slice %arg13[%mul3A_46, %dma_wait3A_58] : memref<10240x144xbf16, #tpu.memory_space<vmem_shared>> -> memref<640x144xbf16, #tpu.memory_space<vmem_shared>>
        tpu.wait_dma2 semaphore(%run_scoped3A : memref<!tpu.dma_semaphore, #tpu.memory_space<semaphore_mem>>) src(%dma_wait3A_59 : memref<640x144xbf16, #tpu.memory_space<vmem_shared>>) dst(%dma_wait3A_57 : memref<640x144xbf16, #tpu.memory_space<hbm>>)
        tpu.yield
      }) : () -> ()
    } else {
    }
    %eq3A = arith.constant 15 : i32
    %eq3A_41 = arith.cmpi eq, %arg1, %eq3A : i32
    %convert_element_type3A_42 = arith.extui %eq3A_41 : i1 to i32
    %cond3A_43 = arith.constant 0 : i32
    %cond3A_44 = arith.cmpi ne, %convert_element_type3A_42, %cond3A_43 : i32
    scf.if %cond3A_44 {
      %mul3A_45 = arith.constant 10000 : i32
      %mul3A_46 = arith.muli %arg0, %mul3A_45 : i32
      %add3A_47 = arith.constant 9600 : i32
      %add3A_48 = arith.addi %mul3A_46, %add3A_47 : i32
      "tpu.region"() ({
        %run_scoped3A = tpu.sem_alloc : memref<!tpu.dma_semaphore, #tpu.memory_space<semaphore_mem>>
        %dma_start3A_49 = arith.constant 0 : i32
        %dma_start3A_50 = tpu.memref_slice %arg6[%add3A_48, %dma_start3A_49] : memref<20000x144xbf16, #tpu.memory_space<hbm>> -> memref<400x144xbf16, #tpu.memory_space<hbm>>
        %dma_start3A_51 = arith.constant 9600 : i32
        %dma_start3A_52 = arith.constant 0 : i32
        %dma_start3A_53 = tpu.memref_slice %arg13[%dma_start3A_51, %dma_start3A_52] : memref<10240x144xbf16, #tpu.memory_space<vmem_shared>> -> memref<400x144xbf16, #tpu.memory_space<vmem_shared>>
        tpu.enqueue_dma source(%dma_start3A_53 : memref<400x144xbf16, #tpu.memory_space<vmem_shared>>) target(%dma_start3A_50 : memref<400x144xbf16, #tpu.memory_space<hbm>>) target_semaphore(%run_scoped3A : memref<!tpu.dma_semaphore, #tpu.memory_space<semaphore_mem>>)
        %dma_wait3A_54 = arith.constant 0 : i32
        %dma_wait3A_55 = tpu.memref_slice %arg6[%add3A_48, %dma_wait3A_54] : memref<20000x144xbf16, #tpu.memory_space<hbm>> -> memref<400x144xbf16, #tpu.memory_space<hbm>>
        %dma_wait3A_56 = arith.constant 9600 : i32
        %dma_wait3A_57 = arith.constant 0 : i32
        %dma_wait3A_58 = tpu.memref_slice %arg13[%dma_wait3A_56, %dma_wait3A_57] : memref<10240x144xbf16, #tpu.memory_space<vmem_shared>> -> memref<400x144xbf16, #tpu.memory_space<vmem_shared>>
        tpu.wait_dma2 semaphore(%run_scoped3A : memref<!tpu.dma_semaphore, #tpu.memory_space<semaphore_mem>>) src(%dma_wait3A_58 : memref<400x144xbf16, #tpu.memory_space<vmem_shared>>) dst(%dma_wait3A_55 : memref<400x144xbf16, #tpu.memory_space<hbm>>)
        tpu.yield
      }) : () -> ()
    } else {
    }
    return
  }
}

module attributes {stable_mosaic.version = 14 : i64} {
  func.func @_build_body(%arg0: i32, %arg1: i32, %arg2: memref<1000x128xf32, #tpu.memory_space<vmem>>, %arg3: memref<1000x144xbf16, #tpu.memory_space<vmem>>) attributes {dimension_semantics = [#tpu.dimension_semantics<arbitrary>, #tpu.dimension_semantics<arbitrary>], iteration_bounds = array<i64: 2, 10>, scalar_prefetch = 0 : i64, scratch_operands = 0 : i64, tpu.core_type = #tpu.core_type<tc>, window_params = [{transform_indices = @transform_0, window_bounds = array<i64: 1000, 128>}, {transform_indices = @transform_1, window_bounds = array<i64: 1000, 144>}]} {
    %get3A = arith.constant 0 : index
    %get3A_0 = arith.constant 0 : index
    %get3A_1 = vector.load %arg2[%get3A, %get3A_0] : memref<1000x128xf32, #tpu.memory_space<vmem>>, vector<1000x128xf32>
    %convert_element_type3A = arith.truncf %get3A_1 : vector<1000x128xf32> to vector<1000x128xbf16>
    %broadcast_in_dim3A = arith.constant 1.000000e+00 : bf16
    %broadcast_in_dim3A_2 = vector.broadcast %broadcast_in_dim3A : bf16 to vector<1000x1xbf16>
    %broadcast_in_dim3A_3 = arith.constant 0.000000e+00 : bf16
    %broadcast_in_dim3A_4 = vector.broadcast %broadcast_in_dim3A_3 : bf16 to vector<1000x15xbf16>
    %concatenate3A = tpu.concatenate %convert_element_type3A, %broadcast_in_dim3A_2, %broadcast_in_dim3A_4 in 1 : vector<1000x128xbf16>, vector<1000x1xbf16>, vector<1000x15xbf16> -> vector<1000x144xbf16>
    %swap3A = arith.constant 0 : index
    %swap3A_5 = arith.constant 0 : index
    %swap3A_6 = vector.load %arg3[%swap3A, %swap3A_5] : memref<1000x144xbf16, #tpu.memory_space<vmem>>, vector<1000x144xbf16>
    tpu.vector_store %arg3[%swap3A, %swap3A_5], %concatenate3A {strides = array<i32>} : memref<1000x144xbf16, #tpu.memory_space<vmem>>, vector<1000x144xbf16>,
    return
  }
  func.func @transform_0(%arg0: i32, %arg1: i32) -> (i32, i32) {
    %c0_i32 = arith.constant 0 : i32
    return %arg1, %arg0 : i32, i32
  }
  func.func @transform_1(%arg0: i32, %arg1: i32) -> (i32, i32) {
    %mul3A = arith.constant 10 : i32
    %mul3A_0 = arith.muli %arg0, %mul3A : i32
    %add3A = arith.addi %mul3A_0, %arg1 : i32
    %c0_i32 = arith.constant 0 : i32
    %c0_i32_1 = arith.constant 0 : i32
    return %add3A, %c0_i32 : i32, i32
  }
}

module attributes {stable_mosaic.version = 14 : i64} {
  func.func @_tc_body(%arg0: i32, %arg1: memref<1000x144xbf16, #tpu.memory_space<vmem>>, %arg2: memref<1000x144xbf16, #tpu.memory_space<vmem>>, %arg3: memref<1000x256xf32, #tpu.memory_space<vmem>>, %arg4: memref<256x256xf32, #tpu.memory_space<vmem>>, %arg5: memref<256x256xf32, #tpu.memory_space<vmem>>, %arg6: memref<1x256xf32, #tpu.memory_space<vmem>>, %arg7: memref<1000x256xf32, #tpu.memory_space<vmem>>) attributes {dimension_semantics = [#tpu.dimension_semantics<arbitrary>], iteration_bounds = array<i64: 10>, scalar_prefetch = 0 : i64, scratch_operands = 0 : i64, tpu.core_type = #tpu.core_type<tc>, window_params = [{transform_indices = @transform_0, window_bounds = array<i64: 1000, 144>}, {transform_indices = @transform_1, window_bounds = array<i64: 1000, 144>}, {transform_indices = @transform_2, window_bounds = array<i64: 1000, 256>}, {pipeline_mode = #tpu.pipeline_mode<synchronous>, transform_indices = @transform_3, window_bounds = array<i64: 256, 256>}, {pipeline_mode = #tpu.pipeline_mode<synchronous>, transform_indices = @transform_4, window_bounds = array<i64: 256, 256>}, {pipeline_mode = #tpu.pipeline_mode<synchronous>, transform_indices = @transform_5, window_bounds = array<i64: 1, 256>}, {transform_indices = @transform_6, window_bounds = array<i64: 1000, 256>}]} {
    %get3A = arith.constant 0 : index
    %get3A_0 = arith.constant 0 : index
    %get3A_1 = vector.load %arg1[%get3A, %get3A_0] : memref<1000x144xbf16, #tpu.memory_space<vmem>>, vector<1000x128xbf16>
    %get3A_2 = arith.constant 0 : index
    %get3A_3 = arith.constant 0 : index
    %get3A_4 = vector.load %arg2[%get3A_2, %get3A_3] : memref<1000x144xbf16, #tpu.memory_space<vmem>>, vector<1000x128xbf16>
    %concatenate3A = tpu.concatenate %get3A_1, %get3A_4 in 1 : vector<1000x128xbf16>, vector<1000x128xbf16> -> vector<1000x256xbf16>
    %convert_element_type3A = arith.extf %concatenate3A : vector<1000x256xbf16> to vector<1000x256xf32>
    %get3A_5 = arith.constant 0 : index
    %get3A_6 = arith.constant 128 : index
    %get3A_7 = vector.load %arg1[%get3A_5, %get3A_6] : memref<1000x144xbf16, #tpu.memory_space<vmem>>, vector<1000x1xbf16>
    %convert_element_type3A_8 = arith.extf %get3A_7 : vector<1000x1xbf16> to vector<1000x1xf32>
    %max3A = arith.constant 1.000000e+00 : f32
    %max3A_9 = vector.broadcast %max3A : f32 to vector<1000x1xf32>
    %max3A_10 = arith.maximumf %convert_element_type3A_8, %max3A_9 : vector<1000x1xf32>
    %div3A = arith.constant 1.000000e+00 : f32
    %div3A_11 = vector.broadcast %div3A : f32 to vector<1000x1xf32>
    %div3A_12 = arith.divf %div3A_11, %max3A_10 : vector<1000x1xf32>
    %mul3A = vector.broadcast %div3A_12 : vector<1000x1xf32> to vector<1000x256xf32>
    %mul3A_13 = arith.mulf %convert_element_type3A, %mul3A : vector<1000x256xf32>
    %get3A_14 = arith.constant 0 : index
    %get3A_15 = arith.constant 0 : index
    %get3A_16 = vector.load %arg4[%get3A_14, %get3A_15] : memref<256x256xf32, #tpu.memory_space<vmem>>, vector<256x256xf32>
    %dot_general3A = arith.constant dense<0.000000e+00> : vector<1000x256xf32>
    %dot_general3A_17 = tpu.matmul %mul3A_13, %get3A_16, %dot_general3A {dimension_numbers = #tpu.dot_dimension_numbers<[1], [0], [0], [1], [0, 0, 1, 1], [], []>, transpose_lhs_hint = false} : vector<1000x256xf32>, vector<256x256xf32>, vector<1000x256xf32> -> vector<1000x256xf32>
    %get3A_18 = arith.constant 0 : index
    %get3A_19 = arith.constant 0 : index
    %get3A_20 = vector.load %arg3[%get3A_18, %get3A_19] : memref<1000x256xf32, #tpu.memory_space<vmem>>, vector<1000x256xf32>
    %get3A_21 = arith.constant 0 : index
    %get3A_22 = arith.constant 0 : index
    %get3A_23 = vector.load %arg5[%get3A_21, %get3A_22] : memref<256x256xf32, #tpu.memory_space<vmem>>, vector<256x256xf32>
    %dot_general3A_24 = arith.constant dense<0.000000e+00> : vector<1000x256xf32>
    %dot_general3A_25 = tpu.matmul %get3A_20, %get3A_23, %dot_general3A_24 {dimension_numbers = #tpu.dot_dimension_numbers<[1], [0], [0], [1], [0, 0, 1, 1], [], []>, transpose_lhs_hint = false} : vector<1000x256xf32>, vector<256x256xf32>, vector<1000x256xf32> -> vector<1000x256xf32>
    %add3A = arith.addf %dot_general3A_17, %dot_general3A_25 : vector<1000x256xf32>
    %get3A_26 = arith.constant 0 : index
    %get3A_27 = arith.constant 0 : index
    %get3A_28 = vector.load %arg6[%get3A_26, %get3A_27] : memref<1x256xf32, #tpu.memory_space<vmem>>, vector<1x256xf32>
    %add3A_29 = vector.broadcast %get3A_28 : vector<1x256xf32> to vector<1000x256xf32>
    %add3A_30 = arith.addf %add3A, %add3A_29 : vector<1000x256xf32>
    %swap3A = arith.constant 0 : index
    %swap3A_31 = arith.constant 0 : index
    %swap3A_32 = vector.load %arg7[%swap3A, %swap3A_31] : memref<1000x256xf32, #tpu.memory_space<vmem>>, vector<1000x256xf32>
    tpu.vector_store %arg7[%swap3A, %swap3A_31], %add3A_30 {strides = array<i32>} : memref<1000x256xf32, #tpu.memory_space<vmem>>, vector<1000x256xf32>,
    return
  }
  func.func @transform_0(%arg0: i32) -> (i32, i32) {
    %add3A = arith.constant 0 : i32
    %add3A_0 = arith.addi %arg0, %add3A : i32
    %c0_i32 = arith.constant 0 : i32
    %c0_i32_1 = arith.constant 0 : i32
    return %add3A_0, %c0_i32 : i32, i32
  }
  func.func @transform_1(%arg0: i32) -> (i32, i32) {
    %add3A = arith.constant 10 : i32
    %add3A_0 = arith.addi %arg0, %add3A : i32
    %c0_i32 = arith.constant 0 : i32
    %c0_i32_1 = arith.constant 0 : i32
    return %add3A_0, %c0_i32 : i32, i32
  }
  func.func @transform_2(%arg0: i32) -> (i32, i32) {
    %c0_i32 = arith.constant 0 : i32
    %c0_i32_0 = arith.constant 0 : i32
    return %arg0, %c0_i32 : i32, i32
  }
  func.func @transform_3(%arg0: i32) -> (i32, i32) {
    %c0_i32 = arith.constant 0 : i32
    %c0_i32_0 = arith.constant 0 : i32
    %c0_i32_1 = arith.constant 0 : i32
    return %c0_i32, %c0_i32_0 : i32, i32
  }
  func.func @transform_4(%arg0: i32) -> (i32, i32) {
    %c0_i32 = arith.constant 0 : i32
    %c0_i32_0 = arith.constant 0 : i32
    %c0_i32_1 = arith.constant 0 : i32
    return %c0_i32, %c0_i32_0 : i32, i32
  }
  func.func @transform_5(%arg0: i32) -> (i32, i32) {
    %c0_i32 = arith.constant 0 : i32
    %c0_i32_0 = arith.constant 0 : i32
    %c0_i32_1 = arith.constant 0 : i32
    return %c0_i32, %c0_i32_0 : i32, i32
  }
  func.func @transform_6(%arg0: i32) -> (i32, i32) {
    %c0_i32 = arith.constant 0 : i32
    %c0_i32_0 = arith.constant 0 : i32
    return %arg0, %c0_i32 : i32, i32
  }
}

</mosaic_0001>

<sc_bundles>
// kernel: kernel.5.cloned.1.call-start
scs
__scs_entry_jumppad:
0x0: {  	(pc) =	sbr.rel $0x88, $3  }
0x1: {  	(tag) =	ssettag $0x0;
	lr =	simm.s32 $0x1  }
0x2: {  	[smem:$0x3F9C] =	sst lr;
	_ =	strace $0xD0000000  }
0x3: {  	_ = 	snop  }
0x4: {  	_ = 	snop  }
0x5: {  	_ = 	snop  }
0x6: {  	_ = 	snop  }
0x7: {  	_ = 	snop  }
__scs_overlays_trampoline_lowered:
0x8: {  	[smem:$0x3FAB] =	sst s0  }
0x9: {  	[smem:$0x3FAC] =	sst s1  }
0xa: {  	[smem:$0x3FAD] =	sst s2  }
0xb: {  	[smem:$0x3FAE] =	sst s3  }
0xc: {  	[smem:$0x3FAF] =	sst s4  }
0xd: {  	[smem:$0x3FB0] =	sst s5  }
0xe: {  	[smem:$0x3FB1] =	sst s6  }
0xf: {  	[smem:$0x3FB2] =	sst s7  }
0x10: {  	[smem:$0x3FB3] =	sst s8  }
0x11: {  	[smem:$0x3FB4] =	sst s9;
	s0 =	simm.s32 @!p0 $0x0  }
0x12: {  	s1 =	sld [smem:$0x3F9A];
	s0 =	simm.s32 @p0 $0x1  }
0x13: {  	[smem:$0x3FB5] =	sst s0;
	s0 =	simm.s32 @!p1 $0x0  }
0x14: {  	s2 =	sld [smem:$0x3F99];
	s0 =	simm.s32 @p1 $0x1  }
0x15: {  	[smem:$0x3FB6] =	sst s0;
	s0 =	simm.s32 @!p2 $0x0  }
0x16: {  	s3 =	sld [smem:$0x3FDB];
	s0 =	simm.s32 @p2 $0x1  }
0x17: {  	s4 =	simm.s32 $0x1BF5;
	[smem:$0x3FB8] =	sst s0  }
0x18: {  	s0 =	sld [smem:$0x3F9B];
	_ =	swait.ge [sflag:s4], $0x0  }
0x19: {  	s7 =	sld [smem:$0x3F9C]  }
0x1a: {  	s8 =	sadd.s32 $0xFFFFE003, lr  }
0x1b: {  	s9 =	sadd.s32 $0xFFFFFEF7, lr;
	s5 =	simm.s32 $0xFFFFFFFF;
	p2 =	slt.u32 s8, $0xFFFFF086  }
0x1c: {  	p1 =	slt.u32 s9, $0xF7A;
	s5 =	simm.s32 @!p2 $0x0  }
0x1d: {  	s5 =	simm.s32 @p1 $0x1;
	p0 =	seq.s32 s7, s2  }
0x1e: {  	s7 =	smul.u32 @!p0 $0xF7A, s2;
	p2 =	seq.s32 @!p0 s5, $0x0  }
0x1f: {  	s9 =	smul.u32 $0xF7A, s1;
	s8 =	simm.s32 @!p0 $0x1BF5;
	p2 =	por !p2, p0  }
0x20: {  	[sflag:s8] =	ssyncset.s32 @!p0 $0xFFFFF086;
	s6 =	sadd.s32 @!p0 s3, s7;
	s7 =	simm.s32 @!p0 $0x108  }
0x21: {  	s3 =	sadd.s32 s3, s9;
	s6 =	sadd.s32 @!p0 $0x88, s6;
	s7 =	simm.s32 @p2 $0x1082  }
0x22: {  	[simem:s7], [sflag:s8] =	dma.local @!p0 [hbm:s6], $0xF7A  }
0x23: {  	s9 =	sor.u32 $0xD0000000, s2;
	s6 =	simm.s32 $0x108;
	_ =	swait.ge @!p0 [sflag:s8], $0x0  }
0x24: {  	s3 =	sadd.s32 $0x88, s3;
	s6 =	simm.s32 @!p1 $0x1082;
	[sflag:s4] =	ssyncset.s32 $0xFFFFF086  }
0x25: {  	[simem:s6], [sflag:s4] =	dma.local [hbm:s3], $0xF7A  }
0x26: {  	[smem:$0x3F9C] =	sst s1;
	(tag) =	ssettag s2;
	_ =	strace s9  }
0x27: {  	s1 =	sld [smem:$0x3FAC]  }
0x28: {  	s2 =	sld [smem:$0x3FAD]  }
0x29: {  	s4 =	sld [smem:$0x3FAF]  }
0x2a: {  	p0 =	seq.s32 s5, $0x0;
	s5 =	sld [smem:$0x3FB0]  }
0x2b: {  	s6 =	sld [smem:$0x3FB1]  }
0x2c: {  	s7 =	sld [smem:$0x3FB2]  }
0x2d: {  	s3 =	simm.s32 $0x108;
	s8 =	sld [smem:$0x3FB3]  }
0x2e: {  	s3 =	simm.s32 @!p0 $0x1082;
	s9 =	sld [smem:$0x3FB4]  }
0x2f: {  	lr =	sadd.s32 s0, s3;
	s0 =	sld [smem:$0x3FAB]  }
0x30: {  	s3 =	sld [smem:$0x3FAE]  }
0x31: {  	[smem:$0x3FB7] =	sst s10  }
0x32: {  	s10 =	sld [smem:$0x3FB5];
	_ =	sdelay $0x3  }
0x33: {  	p0 =	seq.s32 s10, $0x1;
	s10 =	sld [smem:$0x3FB7];
	_ =	sdelay $0x3  }
0x34: {  	[smem:$0x3FB7] =	sst s10  }
0x35: {  	s10 =	sld [smem:$0x3FB6];
	_ =	sdelay $0x3  }
0x36: {  	p1 =	seq.s32 s10, $0x1;
	s10 =	sld [smem:$0x3FB7];
	_ =	sdelay $0x3  }
0x37: {  	[smem:$0x3FB7] =	sst s10  }
0x38: {  	s10 =	sld [smem:$0x3FB8]  }
0x39: {  	_ = 	snop;
	(pc) =	sbr.ind lr, $3  }
0x3a: {  	_ = 	snop  }
0x3b: {  	_ = 	snop  }
0x3c: {  	p2 =	seq.s32 s10, $0x1;
	s10 =	sld [smem:$0x3FB7]  }
0x3d: {  	_ =	shalt  }
0x3e: {  	_ =	shalt  }
0x3f: {  	_ =	shalt  }
0x40: {  	_ =	shalt  }
0x41: {  	_ =	shalt  }
0x42: {  	_ =	shalt  }
0x43: {  	_ =	shalt  }
0x44: {  	_ =	shalt  }
0x45: {  	_ =	shalt  }
0x46: {  	_ =	shalt  }
0x47: {  	_ =	shalt  }
0x48: {  	_ =	shalt  }
0x49: {  	_ =	shalt  }
0x4a: {  	_ =	shalt  }
0x4b: {  	_ =	shalt  }
0x4c: {  	_ =	shalt  }
0x4d: {  	_ =	shalt  }
0x4e: {  	_ =	shalt  }
0x4f: {  	_ =	shalt  }
0x50: {  	_ =	shalt  }
0x51: {  	_ =	shalt  }
0x52: {  	_ =	shalt  }
0x53: {  	_ =	shalt  }
0x54: {  	_ =	shalt  }
0x55: {  	_ =	shalt  }
0x56: {  	_ =	shalt  }
0x57: {  	_ =	shalt  }
0x58: {  	_ =	shalt  }
0x59: {  	_ =	shalt  }
0x5a: {  	_ =	shalt  }
0x5b: {  	_ =	shalt  }
0x5c: {  	_ =	shalt  }
0x5d: {  	_ =	shalt  }
0x5e: {  	_ =	shalt  }
0x5f: {  	_ =	shalt  }
0x60: {  	_ =	shalt  }
0x61: {  	_ =	shalt  }
0x62: {  	_ =	shalt  }
0x63: {  	_ =	shalt  }
0x64: {  	_ =	shalt  }
0x65: {  	_ =	shalt  }
0x66: {  	_ =	shalt  }
0x67: {  	_ =	shalt  }
0x68: {  	_ =	shalt  }
0x69: {  	_ =	shalt  }
0x6a: {  	_ =	shalt  }
0x6b: {  	_ =	shalt  }
0x6c: {  	_ =	shalt  }
0x6d: {  	_ =	shalt  }
0x6e: {  	_ =	shalt  }
0x6f: {  	_ =	shalt  }
0x70: {  	_ =	shalt  }
0x71: {  	_ =	shalt  }
0x72: {  	_ =	shalt  }
0x73: {  	_ =	shalt  }
0x74: {  	_ =	shalt  }
0x75: {  	_ =	shalt  }
0x76: {  	_ =	shalt  }
0x77: {  	_ =	shalt  }
0x78: {  	_ =	shalt  }
0x79: {  	_ =	shalt  }
0x7a: {  	_ =	shalt  }
0x7b: {  	_ =	shalt  }
0x7c: {  	_ =	shalt  }
0x7d: {  	_ =	shalt  }
0x7e: {  	_ =	shalt  }
0x7f: {  	_ =	shalt  }
0x80: {  	_ =	shalt  }
0x81: {  	_ =	shalt  }
0x82: {  	_ =	shalt  }
0x83: {  	_ =	shalt  }
0x84: {  	_ =	shalt  }
0x85: {  	_ =	shalt  }
0x86: {  	_ =	shalt  }
0x87: {  	_ =	shalt  }
.Lfunc_end0:
.L_simem_size_0:
called_computation_lowered:
.L_overlay_start_0:
0x88: {  	s2 =	sld [smem:$0x3FD9]  }
0x89: {  	s3 =	sld [smem:$0x3FFE];
	_ =	sdelay $0x1  }
0x8a: {  	s1 =	srdreg.scid  }
0x8b: {  	s0 =	sand.u32 $0x1, s1  }
0x8c: {  	s17 =	sshll.u32 s0, $0xA;
	s2 =	sadd.s32 s3, s2  }
0x8d: {  	s2 =	sadd.s32 s2, s17  }
0x8e: {  	[smem:$0x3FC3] =	sst s2  }
0x8f: {  	_ = 	snop  }
0x90: {  	s2 =	sld [smem:$0x3FD0];
	(tm) =	ssettm $0x1  }
0x91: {  	s18 =	sld [smem:$0x3FFB];
	_ =	sdelay $0x3  }
0x92: {  	_ =	strace s18  }
0x93: {  	s3 =	sld [smem:$0x3FFC];
	_ =	sdelay $0x3  }
0x94: {  	_ =	strace s3  }
0x95: {  	s3 =	sld [smem:$0x3FFD];
	_ =	sdelay $0x3  }
0x96: {  	_ =	strace s3  }
0x97: {  	_ =	strace $0x8FFFFFFF  }
0x98: {  	s19 =	sld [smem:$0x3FDB];
	_ =	sdelay $0x1  }
0x99: {  	s4 =	simm.s32 $_scs_section_size  }
0x9a: {  	s5 =	simm.s32 $_size__tile_overlayer_lowered;
	s6 =	simm.s32 $_tile_overlayer_lowered  }
0x9b: {  	s22 =	simm.s32 $0x1BFF;
	s21 =	sshll.u32 s6, $0x1;
	s3 =	sadd.s32 s4, s19  }
0x9c: {  	s7 =	simm.s32 $0x0;
	s20 =	sshll.u32 s5, $0x1;
	s5 =	sadd.s32 s21, s3  }
0x9d: {  	[timem:s7], [sflag:s22] =	dma.local [hbm:s5], s20  }
0x9e: {  	_ =	swait.ge [sflag:s22], s20  }
0x9f: {  	s4 =	ssub.s32 $0x0, s20;
	[sflag:s22] =	ssyncset.done $0x0  }
0xa0: {  	[sflag:s22] =	ssyncadd.s32 s4;
	_ =	sdelay $0x1  }
0xa1: {  	s23 =	simm.s32 $0x1B8B  }
0xa2: {  	_ =	swait.ge [sflag:s23], $0x1  }
0xa3: {  	[sflag:s23] =	ssyncset.done $0x0  }
0xa4: {  	s25 =	simm.s32 $0x1B8E;
	s24 =	sld [smem:$0x3FFE];
	[sflag:s23] =	ssyncadd.s32 $0xFFFFFFFF  }
0xa5: {  	s26 =	simm.s32 $execute0_lowered;
	[smem:$0x3FD2] =	sst s25  }
0xa6: {  	s5 =	sshll.u32 s26, $0x1;
	_ =	strace $0x80000046;
	[dreg:$0x1] =	wrdreg $0xFFFFFFFF  }
0xa7: {  	s28 =	simm.s32 $_size_execute0_lowered;
	s3 =	sadd.s32 s3, s5;
	[dreg:$0x0] =	wrdreg $0x0  }
0xa8: {  	s5 =	sshll.u32 s28, $0x1;
	[dreg:$0x2] =	wrdreg s3  }
0xa9: {  	[dreg:$0x3] =	wrdreg s5  }
0xaa: {  	[dreg:$0x4] =	wrdreg $0xC0  }
0xab: {  	_ =	task [dreg:s7], $0x5FFFF  }
0xac: {  	[dreg:$0x1] =	wrdreg $0xFFFFFFFF  }
0xad: {  	[dreg:$0x0] =	wrdreg $0x60  }
0xae: {  	[dreg:$0x2] =	wrdreg s2  }
0xaf: {  	[dreg:$0x3] =	wrdreg s24  }
0xb0: {  	[dreg:$0x4] =	wrdreg $0xE0000  }
0xb1: {  	[dreg:$0x5] =	wrdreg $0x9  }
0xb2: {  	_ =	task.clear_ibuf [dreg:s7], $0x6FFFF;
	_ =	strace $0x90000046  }
0xb3: {  	s29 =	simm.s32 $0x9;
	_ =	strace $0x80000048  }
0xb4: {  	_ =	swait.ge [sflag:s29], $0x1  }
0xb5: {  	[sflag:s29] =	ssyncadd.s32 $0xFFFFFFFF  }
0xb6: {  	_ =	strace $0x90000048  }
0xb7: {  	_ =	sfence  }
0xb8: {  	s30 =	sld [smem:$0x0];
	_ =	sdelay $0x2  }
0xb9: {  	s31 =	sshll.u32 s1, $0xD;
	s1 =	sshrl.u32 s1, $0x2  }
0xba: {  	s3 =	sand.u32 $0x4000, s31;
	s1 =	sadd.s32 s1, s30  }
0xbb: {  	s0 =	sor.u32 s3, s0;
	s1 =	sshll.u32 s1, $0x11  }
0xbc: {  	s0 =	sor.u32 s1, s0  }
0xbd: {  	s0 =	sadd.s32 $0x8F2B, s0  }
0xbe: {  	[sflag:s0] =	ssyncadd.remote.s32 $0x1  }
0xbf: {  	_ =	sfence.sel $0xFFFF  }
0xc0: {  	[dreg:$0x0] =	wrdreg $0xFFFFFFFF;
	(pc) =	sbr.abs _section_cstart, $3  }
0xc1: {  	[dreg:$0x1] =	wrdreg $0xFFFFFFFF  }
0xc2: {  	_ =	task.clear_ibuf [dreg:s7], $0x2FFFF;
	_ =	strace $0x9FFFFFFF  }
0xc3: {  	(tm) =	ssettm $0x7FFFFFFF  }
tec
execute0_lowered:
.L_overlay_start_1:
0x0: {  	(tag) =	ssettag $0x1  }
0x1: {  	s1 =	rddreg [dreg:$0x0]  }
0x2: {  	s0 =	srdreg.scid;
	s5 =	rddreg [dreg:$0x1]  }
0x3: {  	s20 =	stileid.u32;
	s3 =	rddreg [dreg:$0x2]  }
0x4: {  	s4 =	simm.s32 $0x0;
	s14 =	simm.s32 $0x9;
	s15 =	simm.s32 $0x2800  }
0x5: {  	s16 =	simm.s32 $0x80;
	s17 =	simm.s32 $0x5000;
	s18 =	simm.s32 $0x7400  }
0x6: {  	s19 =	simm.s32 $0x1;
	s21 =	simm.s32 $0x9800;
	s28 =	simm.s32 $0x3  }
0x7: {  	s30 =	simm.s32 $0x5;
	s29 =	simm.s32 $0x8;
	s6 =	smul.u32 $0x500, s20  }
0x8: {  	s31 =	simm.s32 $0x0;
	s0 =	sand.u32 $0x1, s0;
	s7 =	smul.u32 $0x2D000, s20  }
0x9: {  	[smem:$0x7FF] =	sst s4;
	s22 =	sadd.s32 $0x400, s5;
	s10 =	smul.u32 $0x1680, s20  }
0xa: {  	s25 =	sshll.u32 s20, $0x6;
	p0 =	seq.s32 s20, $0xF;
	s2 =	sshll.u32 s0, $0x4  }
0xb: {  	_ =	strace $0x80000047;
	[dreg:$0x4] =	wrdreg s22;
	s11 =	smul.u32 $0x15F900, s0  }
0xc: {  	s23 =	ssub.s32 $0x2, s0;
	s0 =	smul.u32 $0x15F90, s0;
	s22 =	simm.s32 $0x2  }
0xd: {  	s2 =	sor.u32 s20, s2;
	s9 =	sadd.s32 s6, s5;
	s8 =	sshrl.u32 s23, $0x1  }
0xe: {  	s24 =	sshrl.u32 s7, $0x2;
	s7 =	sor.u32 $0x1C09, s25;
	s20 =	simm.s32 $0x6  }
0xf: {  	s2 =	smul.u32 $0x500, s2;
	s12 =	ssub.s32 s23, s8;
	s6 =	sadd.s32 s24, s3  }
0x10: {  	s26 =	sshrl.u32 s11, $0x4;
	s9 =	sadd.s32 $0x1C00, s9;
	s0 =	sadd.s32 s10, s0  }
.Ltmp0:
0x11: {  	s24 =	simm.s32 $0x7;
	s12 =	smax.u32 s12, $0x1;
	(pc) =	sbr.rel .LBB2_1-.Ltmp0, $4  }
0x12: {  	s13 =	sshrl.u32 s6, $0x3;
	s2 =	sadd.s32 s2, s5;
	s5 =	sadd.s32 $0x10C00, s5  }
0x13: {  	s2 =	sadd.s32 $0x6C00, s2;
	s10 =	sadd.s32 s5, s0;
	s0 =	sadd.s32 $0xA8C00, s3  }
0x14: {  	[dreg:$0x5] =	wrdreg s2;
	s2 =	sadd.s32 s5, s26;
	s25 =	sshrl.u32 @p0 s0, $0x3  }
0x15: {  	s26 =	simm.s32 $0xBC00;
	s11 =	sadd.s32 $0x15180, s2;
	s2 =	simm.s32 $0x4  }
.LBB2_4:
0x16: {  	_ =	swait.ge [sflag:s2], $0x2400  }
0x17: {  	[sflag:s2] =	ssyncset.done $0x0  }
0x18: {  	[sflag:s2] =	ssyncadd.s32 $0xFFFFDC00  }
0x19: {  	[spmem:s3] =	stream.indirect.scatter.add.bf16 [tilespmem:s26], [sflag:$0x8], $0x48, s5, s16, $0xb8;
	[tilespmem:$0x19400] =	vst v63  }
0x1a: {  	_ =	swait.ge [sflag:s20], $0x2400  }
0x1b: {  	[sflag:s20] =	ssyncset.done $0x0  }
0x1c: {  	[sflag:s20] =	ssyncadd.s32 $0xFFFFDC00  }
0x1d: {  	_ =	swait.ge [sflag:s24], $0x2400  }
0x1e: {  	[sflag:s24] =	ssyncset.done $0x0  }
0x1f: {  	[sflag:s24] =	ssyncadd.s32 $0xFFFFDC00  }
0x20: {  	_ =	swait.ge [sflag:s29], $0x2400  }
0x21: {  	[sflag:s29] =	ssyncset.done $0x0  }
0x22: {  	[sflag:s29] =	ssyncadd.s32 $0xFFFFDC00  }
0x23: {  	s0 =	simm.s32 @p0 $0x9;
	[bflag:$0x0] =	sbarrier.arrive $0xFFFF  }
0x24: {  	[hbm:s11], [sflag:s7] =	dma.local @p0 [spmem:s25], $0xE10  }
0x25: {  	_ =	swait.ge @p0 [sflag:s0], $0xE10  }
0x26: {  	s31 =	sadd.s32 $0x1, s31;
	[sflag:s0] =	ssyncset.done @p0 $0x0  }
0x27: {  	p1 =	sne.s32 s31, s12;
	[sflag:s0] =	ssyncadd.s32 @p0 $0xFFFFF1F0;
	s0 =	sshrl.u32 @!p0 s6, $0x3  }
0x28: {  	[hbm:s10], [sflag:s7] =	dma.local @!p0 [spmem:s0], $0x1680  }
.Ltmp1:
0x29: {  	_ = 	snop;
	(pc) =	sbr.rel @!p1 .LBB2_5-.Ltmp1, $4  }
0x2a: {  	s0 =	simm.s32 @!p0 $0x9  }
0x2b: {  	_ =	swait.ge @!p0 [sflag:s0], $0x1680  }
0x2c: {  	[sflag:s0] =	ssyncset.done @!p0 $0x0  }
0x2d: {  	[sflag:s0] =	ssyncadd.s32 @!p0 $0xFFFFE980  }
.LBB2_1:
0x2e: {  	s0 =	rddreg [dreg:$0x4]  }
0x2f: {  	[spmem:s13], [sflag:s7] =	dma.local [hbm:s0], $0x1680  }
0x30: {  	_ =	swait.ge [sflag:s14], $0x1680  }
0x31: {  	[sflag:s14] =	ssyncset.done $0x0  }
0x32: {  	s8 =	rddreg [dreg:$0x5];
	[sflag:s14] =	ssyncadd.s32 $0xFFFFE980  }
0x33: {  	[tilespmem:s4], [sflag:$0x9] =	stream.linear.gather [hbm4b:s8+s4], $0x2800, $0x38;
	[tilespmem:$0x19400] =	vst v63  }
0x34: {  	_ =	swait.ge [sflag:s14], $0x2800  }
0x35: {  	[sflag:s14] =	ssyncset.done $0x0  }
0x36: {  	[sflag:s14] =	ssyncadd.s32 $0xFFFFD800  }
0x37: {  	[tilespmem:s15], [sflag:$0x9] =	stream.linear.gather [hbm4b:s9+s4], $0x2800, $0x38;
	[tilespmem:$0x19400] =	vst v63  }
0x38: {  	_ =	swait.ge [sflag:s14], $0x2800  }
0x39: {  	[sflag:s14] =	ssyncset.done $0x0  }
0x3a: {  	[sflag:s14] =	ssyncadd.s32 $0xFFFFD800  }
0x3b: {  	[bflag:$0x0] =	sbarrier.arrive $0xFFFF  }
0x3c: {  	[tilespmem:s17], [sflag:$0x1] =	stream.indirect.gather [hbm4b:s1+s16], $0x48, s4, s16, $0xb8;
	[tilespmem:$0x19400] =	vst v63  }
0x3d: {  	_ = 	snop  }
0x3e: {  	[tilespmem:s18], [sflag:$0x2] =	stream.indirect.gather [hbm4b:s1+s16], $0x48, s16, s16, $0xb8;
	[tilespmem:$0x19400] =	vst v63  }
0x3f: {  	_ =	swait.ge [sflag:s19], $0x2400  }
0x40: {  	[sflag:s19] =	ssyncset.done $0x0  }
0x41: {  	[sflag:s19] =	ssyncadd.s32 $0xFFFFDC00  }
0x42: {  	[spmem:s3] =	stream.indirect.scatter.add.bf16 [tilespmem:s17], [sflag:$0x5], $0x48, s15, s16, $0xb8;
	[tilespmem:$0x19400] =	vst v63  }
0x43: {  	s23 =	simm.s32 $0x100  }
0x44: {  	[tilespmem:s21], [sflag:$0x3] =	stream.indirect.gather [hbm4b:s1+s16], $0x48, s23, s16, $0xb8;
	[tilespmem:$0x19400] =	vst v63  }
0x45: {  	_ =	swait.ge [sflag:s22], $0x2400  }
0x46: {  	[sflag:s22] =	ssyncset.done $0x0  }
0x47: {  	s5 =	simm.s32 $0x2880;
	[sflag:s22] =	ssyncadd.s32 $0xFFFFDC00  }
0x48: {  	[spmem:s3] =	stream.indirect.scatter.add.bf16 [tilespmem:s18], [sflag:$0x6], $0x48, s5, s16, $0xb8;
	[tilespmem:$0x19400] =	vst v63  }
0x49: {  	s8 =	simm.s32 $0x180  }
0x4a: {  	[tilespmem:s26], [sflag:$0x4] =	stream.indirect.gather [hbm4b:s1+s16], $0x48, s8, s16, $0xb8;
	[tilespmem:$0x19400] =	vst v63  }
0x4b: {  	_ =	swait.ge [sflag:s28], $0x2400  }
0x4c: {  	[sflag:s28] =	ssyncset.done $0x0  }
0x4d: {  	s23 =	simm.s32 $0x2900;
	[sflag:s28] =	ssyncadd.s32 $0xFFFFDC00  }
0x4e: {  	[spmem:s3] =	stream.indirect.scatter.add.bf16 [tilespmem:s21], [sflag:$0x7], $0x48, s23, s16, $0xb8;
	[tilespmem:$0x19400] =	vst v63  }
0x4f: {  	_ =	swait.ge [sflag:s30], $0x2400  }
0x50: {  	[sflag:s30] =	ssyncset.done $0x0  }
0x51: {  	s5 =	simm.s32 $0x200;
	[sflag:s30] =	ssyncadd.s32 $0xFFFFDC00  }
0x52: {  	[tilespmem:s17], [sflag:$0x1] =	stream.indirect.gather [hbm4b:s1+s16], $0x48, s5, s16, $0xb8;
	[tilespmem:$0x19400] =	vst v63  }
0x53: {  	_ =	swait.ge [sflag:s2], $0x2400  }
0x54: {  	[sflag:s2] =	ssyncset.done $0x0  }
0x55: {  	s8 =	simm.s32 $0x2980;
	[sflag:s2] =	ssyncadd.s32 $0xFFFFDC00  }
0x56: {  	[spmem:s3] =	stream.indirect.scatter.add.bf16 [tilespmem:s26], [sflag:$0x8], $0x48, s8, s16, $0xb8;
	[tilespmem:$0x19400] =	vst v63  }
0x57: {  	_ =	swait.ge [sflag:s20], $0x2400  }
0x58: {  	[sflag:s20] =	ssyncset.done $0x0  }
0x59: {  	s0 =	simm.s32 $0x0;
	s23 =	simm.s32 $0x280;
	[sflag:s20] =	ssyncadd.s32 $0xFFFFDC00  }
0x5a: {  	[tilespmem:s18], [sflag:$0x2] =	stream.indirect.gather [hbm4b:s1+s16], $0x48, s23, s16, $0xb8;
	[tilespmem:$0x19400] =	vst v63  }
.LBB2_2:
0x5b: {  	_ =	swait.ge [sflag:s19], $0x2400  }
0x5c: {  	s23 =	sshra.s32 s0, $0x2;
	[sflag:s19] =	ssyncset.done $0x0  }
0x5d: {  	s5 =	sadd.s32 $0x2A00, s23;
	[sflag:s19] =	ssyncadd.s32 $0xFFFFDC00  }
0x5e: {  	[spmem:s3] =	stream.indirect.scatter.add.bf16 [tilespmem:s17], [sflag:$0x5], $0x48, s5, s16, $0xb8;
	[tilespmem:$0x19400] =	vst v63  }
0x5f: {  	_ =	swait.ge [sflag:s24], $0x2400  }
0x60: {  	[sflag:s24] =	ssyncset.done $0x0  }
0x61: {  	s8 =	sadd.s32 $0x300, s23;
	[sflag:s24] =	ssyncadd.s32 $0xFFFFDC00  }
0x62: {  	[tilespmem:s21], [sflag:$0x3] =	stream.indirect.gather [hbm4b:s1+s16], $0x48, s8, s16, $0xb8;
	[tilespmem:$0x19400] =	vst v63  }
0x63: {  	_ =	swait.ge [sflag:s22], $0x2400  }
0x64: {  	[sflag:s22] =	ssyncset.done $0x0  }
0x65: {  	s8 =	sadd.s32 $0x2A80, s23;
	[sflag:s22] =	ssyncadd.s32 $0xFFFFDC00  }
0x66: {  	[spmem:s3] =	stream.indirect.scatter.add.bf16 [tilespmem:s18], [sflag:$0x6], $0x48, s8, s16, $0xb8;
	[tilespmem:$0x19400] =	vst v63  }
0x67: {  	_ =	swait.ge [sflag:s29], $0x2400  }
0x68: {  	[sflag:s29] =	ssyncset.done $0x0  }
0x69: {  	s8 =	sadd.s32 $0x380, s23;
	[sflag:s29] =	ssyncadd.s32 $0xFFFFDC00  }
0x6a: {  	[tilespmem:s26], [sflag:$0x4] =	stream.indirect.gather [hbm4b:s1+s16], $0x48, s8, s16, $0xb8;
	[tilespmem:$0x19400] =	vst v63  }
0x6b: {  	_ =	swait.ge [sflag:s28], $0x2400  }
0x6c: {  	p1 =	seq.s32 s0, $0x9000;
	[sflag:s28] =	ssyncset.done $0x0  }
.Ltmp2:
0x6d: {  	s8 =	sadd.s32 $0x2B00, s23;
	[sflag:s28] =	ssyncadd.s32 $0xFFFFDC00;
	(pc) =	sbr.rel @p1 .LBB2_4-.Ltmp2, $4  }
0x6e: {  	[spmem:s3] =	stream.indirect.scatter.add.bf16 [tilespmem:s21], [sflag:$0x7], $0x48, s8, s16, $0xb8;
	[tilespmem:$0x19400] =	vst v63  }
0x6f: {  	_ =	swait.ge [sflag:s30], $0x2400  }
0x70: {  	[sflag:s30] =	ssyncset.done $0x0  }
0x71: {  	s5 =	sadd.s32 $0x2B80, s23;
	[sflag:s30] =	ssyncadd.s32 $0xFFFFDC00  }
0x72: {  	s8 =	sadd.s32 $0x400, s23  }
0x73: {  	[tilespmem:s17], [sflag:$0x1] =	stream.indirect.gather [hbm4b:s1+s16], $0x48, s8, s16, $0xb8;
	[tilespmem:$0x19400] =	vst v63  }
0x74: {  	_ =	swait.ge [sflag:s2], $0x2400  }
0x75: {  	[sflag:s2] =	ssyncset.done $0x0  }
0x76: {  	[sflag:s2] =	ssyncadd.s32 $0xFFFFDC00  }
0x77: {  	[spmem:s3] =	stream.indirect.scatter.add.bf16 [tilespmem:s26], [sflag:$0x8], $0x48, s5, s16, $0xb8;
	[tilespmem:$0x19400] =	vst v63  }
.Ltmp3:
0x78: {  	_ = 	snop;
	(pc) =	sbr.rel .LBB2_2-.Ltmp3, $4  }
0x79: {  	_ =	swait.ge [sflag:s20], $0x2400  }
0x7a: {  	[sflag:s20] =	ssyncset.done $0x0  }
0x7b: {  	s23 =	sadd.s32 $0x480, s23;
	s0 =	sadd.s32 $0x800, s0;
	[sflag:s20] =	ssyncadd.s32 $0xFFFFDC00  }
0x7c: {  	[tilespmem:s18], [sflag:$0x2] =	stream.indirect.gather [hbm4b:s1+s16], $0x48, s23, s16, $0xb8;
	[tilespmem:$0x19400] =	vst v63  }
.LBB2_5:
0x7d: {  	_ =	sfence.sel $0x180000  }
0x7e: {  	[bflag:$0x0] =	sbarrier.arrive $0xFFFF  }
0x7f: {  	_ =	strace $0x90000047  }
0x80: {  	s0 =	stileid.u32;
	[bflag:$0x2] =	sbarrier.arrive $0xFFFF  }
0x81: {  	p0 =	sne.s32 s0, $0x0;
	s0 =	rddreg [dreg:$0x3]  }
0x82: {  	s0 =	sadd.s32 @!p0 $0x100000, s0  }
0x83: {  	[sflag:s0] =	ssyncadd.tile.s32 @!p0 $0x1;
	_ =	shalt  }
.Lfunc_end2:
_tile_overlayer_lowered:
.L_overlay_start_2:
0x84: {  	(tag) =	ssettag $0x2  }
0x85: {  	s0 =	rddreg [dreg:$0x0];
	s2 =	stileid.u32  }
0x86: {  	s1 =	rddreg [dreg:$0x1];
	p0 =	sne.s32 s2, $0x0  }
0x87: {  	s3 =	rddreg [dreg:$0x2];
	[bflag:$0x3] =	sbarrier.arrive $0xFFFF;
	s2 =	simm.s32 @!p0 $0x1C09  }
0x88: {  	[timem:s3], [sflag:s2] =	dma.local @!p0 [hbm:s0], s1  }
0x89: {  	s0 =	simm.s32 @!p0 $0x9  }
0x8a: {  	_ =	swait.ge @!p0 [sflag:s0], s1  }
0x8b: {  	s1 =	ssub.s32 @!p0 $0x0, s1;
	[sflag:s0] =	ssyncset.done @!p0 $0x0  }
0x8c: {  	[sflag:s0] =	ssyncadd.s32 @!p0 s1  }
0x8d: {  	[bflag:$0x3] =	sbarrier.arrive $0xFFFF  }
0x8e: {  	_ =	shalt  }

</sc_bundles>
